<compile_context>
chip_gen: v7x
topology: tpu7x:2x2x1
jax: 0.10.2.dev20260603
libtpu: 0.0.44.dev20260713+nightly
codegen_flags: <defaults>
</compile_context>

<pallas_src>
import jax
import jax.numpy as jnp
from jax import lax
from jax.experimental import pallas as pl
from jax.experimental.pallas import tpu as pltpu
from jax.experimental.pallas import tpu_sc as plsc

VOCAB = 1000000
DIM = 64
BATCH = 4096
SEQ = 200
LANES = 16
VPR = DIM // LANES

N = BATCH * SEQ
NUM_WORKERS = 32
PER_W = N // NUM_WORKERS

CHUNK = SEQ
TPC = CHUNK // 8
NCHUNKS = PER_W // CHUNK


def _gather_body(idx_hbm, scratch_hbm, out_hbm, idx_v, rows0, rows1,
                 nar0, nar1, gsem0, gsem1, wsem0, wsem1):
    wid = lax.axis_index("s") * 2 + lax.axis_index("c")
    base = wid * PER_W
    batch0 = wid * (BATCH // NUM_WORKERS)
    pltpu.sync_copy(idx_hbm.at[pl.ds(base, PER_W)], idx_v)

    rows = (rows0, rows1)
    nars = (nar0, nar1)
    gsems = (gsem0, gsem1)
    wsems = (wsem0, wsem1)

    def start_gather(g, b):
        idx_slice = idx_v.at[pl.ds(g * CHUNK, CHUNK)]
        pltpu.async_copy(scratch_hbm.at[idx_slice], rows[b], gsems[b])

    def wait_gather(b):
        pltpu.make_async_copy(
            scratch_hbm.at[idx_v.at[pl.ds(0, CHUNK)]], rows[b], gsems[b]
        ).wait()

    def start_write(g, b):
        pltpu.async_copy(nars[b], out_hbm.at[batch0 + g], wsems[b])

    def wait_write(b):
        pltpu.make_async_copy(nars[b], out_hbm.at[batch0], wsems[b]).wait()

    def narrow(b):
        @pl.loop(0, TPC)
        def _tile(t):
            for s in range(8):
                for j in range(VPR):
                    nars[b][t, s, pl.ds(j * LANES, LANES)] = (
                        rows[b][t * 8 + s, pl.ds(j * LANES, LANES)])

    def half(g, a, bb):
        @pl.when(g + 1 < NCHUNKS)
        def _():
            start_gather(g + 1, bb)
        wait_gather(a)

        @pl.when(g >= 2)
        def _():
            wait_write(a)
        narrow(a)
        start_write(g, a)

    start_gather(0, 0)

    @pl.loop(0, NCHUNKS, step=2)
    def _chunk(g):
        half(g, 0, 1)
        half(g + 1, 1, 0)

    wait_write(0)
    wait_write(1)


_SC_MESH = plsc.VectorSubcoreMesh(core_axis_name="c", subcore_axis_name="s")


@jax.jit
def _embed(x_flat, table):
    widen = jnp.eye(DIM, 2 * DIM, dtype=jnp.float32)
    scratch = jnp.dot(table, widen, precision=jax.lax.Precision.HIGHEST)
    gather = pl.kernel(
        _gather_body,
        out_type=jax.ShapeDtypeStruct((BATCH, SEQ // 8, 8, DIM), jnp.float32),
        mesh=_SC_MESH,
        scratch_types=[
            pltpu.VMEM((PER_W,), jnp.int32),
            pltpu.VMEM((CHUNK, 2 * DIM), jnp.float32),
            pltpu.VMEM((CHUNK, 2 * DIM), jnp.float32),
            pltpu.VMEM((TPC, 8, DIM), jnp.float32),
            pltpu.VMEM((TPC, 8, DIM), jnp.float32),
            pltpu.SemaphoreType.DMA,
            pltpu.SemaphoreType.DMA,
            pltpu.SemaphoreType.DMA,
            pltpu.SemaphoreType.DMA,
        ],
    )
    return gather(x_flat, scratch)


def kernel(X, table):
    out = _embed(X.reshape(-1), table)
    return out.reshape(BATCH, SEQ, DIM)

# --- scband reference (transcript-rebuilt; emitter-appended) ---
"""Pipeline reference for scband-embedding-75737453298343 (READ-ONLY COPY).

The authoritative reference and input builder live on the scoring server;
editing this copy changes nothing except your own understanding.
"""

import jax, jax.numpy as jnp
import numpy as np

VOCAB = 1000000
DIM = 64
BATCH = 4096
SEQ = 200
PAD = 0

def setup_inputs(seed: int = 0) -> dict:
    key = jax.random.key(seed)
    k1, k2 = jax.random.split(key)
    X = jax.random.randint(k1, (BATCH, SEQ), 0, VOCAB, dtype=jnp.int64 if jax.config.jax_enable_x64 else jnp.int32).astype(jnp.int32)
    table = jax.random.normal(k2, (VOCAB, DIM), dtype=jnp.float32)
    # nn.Embedding with padding_idx=pad zeroes that row at init
    table = table.at[PAD].set(0.0)
    return {"X": X, "table": table}

def reference(X, table):
    # Original module pads python lists with index 0 (padding_idx) up to max_len,
    # then performs an embedding lookup. With fixed-shape input X[B, L], the
    # padding step is a no-op; the core op is a row gather from the table.
    return jnp.take(table, X, axis=0)

if __name__ == "__main__":
    import jax
    _d = setup_inputs()
    print(jax.jit(kernel)(*tuple(_d.values())))

</pallas_src>

<mosaic_0001>
#map = affine_map<(d0, d1) -> (0)>
#map1 = affine_map<(d0, d1) -> (0, 0)>
#map2 = affine_map<(d0, d1) -> (0, 0, 0, 0)>
module attributes {stable_mosaic.version = 14 : i64} {
  func.func @_gather_body(%arg0: i32, %arg1: i32, %arg2: memref<819200xi32, #tpu.memory_space<hbm>>, %arg3: memref<1000000x128xf32, #tpu.memory_space<hbm>>, %arg4: memref<4096x25x8x64xf32, #tpu.memory_space<hbm>>, %arg5: memref<25600xi32, #tpu.memory_space<vmem>>, %arg6: memref<200x128xf32, #tpu.memory_space<vmem>>, %arg7: memref<200x128xf32, #tpu.memory_space<vmem>>, %arg8: memref<25x8x64xf32, #tpu.memory_space<vmem>>, %arg9: memref<25x8x64xf32, #tpu.memory_space<vmem>>, %arg10: memref<!tpu.dma_semaphore, #tpu.memory_space<semaphore_mem>>, %arg11: memref<!tpu.dma_semaphore, #tpu.memory_space<semaphore_mem>>, %arg12: memref<!tpu.dma_semaphore, #tpu.memory_space<semaphore_mem>>, %arg13: memref<!tpu.dma_semaphore, #tpu.memory_space<semaphore_mem>>) attributes {dimension_semantics = [#tpu.dimension_semantics<core_parallel>, #tpu.dimension_semantics<subcore_parallel>], iteration_bounds = array<i64: 2, 16>, scalar_prefetch = 0 : i64, scratch_operands = 9 : i64, tpu.core_type = #tpu.core_type<sc_vector_subcore>, window_params = [{transform_indices = #map}, {transform_indices = #map1}, {transform_indices = #map2}]} {
    %mul3A = arith.constant 2 : i32
    %mul3A_0 = arith.muli %arg1, %mul3A : i32
    %add3A = arith.addi %mul3A_0, %arg0 : i32
    %mul3A_1 = arith.constant 25600 : i32
    %mul3A_2 = arith.muli %add3A, %mul3A_1 : i32
    %mul3A_3 = arith.constant 128 : i32
    %mul3A_4 = arith.muli %add3A, %mul3A_3 : i32
    "tpu.region"() ({
      %run_scoped3A = tpu.sem_alloc : memref<!tpu.dma_semaphore, #tpu.memory_space<semaphore_mem>>
      %dma_start3A_32 = tpu.memref_slice %arg2[%mul3A_2] : memref<819200xi32, #tpu.memory_space<hbm>> -> memref<25600xi32, #tpu.memory_space<hbm>>
      %dma_start3A_33 = tpu.memref_slice %arg2[%mul3A_2] : memref<819200xi32, #tpu.memory_space<hbm>> -> memref<25600xi32, #tpu.memory_space<hbm>>
      tpu.enqueue_dma source(%dma_start3A_33 : memref<25600xi32, #tpu.memory_space<hbm>>) target(%arg5 : memref<25600xi32, #tpu.memory_space<vmem>>) target_semaphore(%run_scoped3A : memref<!tpu.dma_semaphore, #tpu.memory_space<semaphore_mem>>)
      %dma_wait3A_34 = tpu.memref_slice %arg2[%mul3A_2] : memref<819200xi32, #tpu.memory_space<hbm>> -> memref<25600xi32, #tpu.memory_space<hbm>>
      %dma_wait3A_35 = tpu.memref_slice %arg2[%mul3A_2] : memref<819200xi32, #tpu.memory_space<hbm>> -> memref<25600xi32, #tpu.memory_space<hbm>>
      tpu.wait_dma2 semaphore(%run_scoped3A : memref<!tpu.dma_semaphore, #tpu.memory_space<semaphore_mem>>) src(%dma_wait3A_35 : memref<25600xi32, #tpu.memory_space<hbm>>) dst(%arg5 : memref<25600xi32, #tpu.memory_space<vmem>>)
      tpu.yield
    }) : () -> ()
    %dma_start3A = arith.constant 0 : i32
    %dma_start3A_5 = tpu.memref_slice %arg5[%dma_start3A] : memref<25600xi32, #tpu.memory_space<vmem>> -> memref<200xi32, #tpu.memory_space<vmem>>
    %dma_start3A_6 = arith.constant 0 : i32
    %dma_start3A_7 = arith.constant 0 : i32
    %dma_start3A_8 = tpu.memref_slice %arg3[%dma_start3A_6, %dma_start3A_7] : memref<1000000x128xf32, #tpu.memory_space<hbm>> -> memref<1000000x128xf32, #tpu.memory_space<hbm>>
    tpu.enqueue_indirect_dma source(%dma_start3A_8 : memref<1000000x128xf32, #tpu.memory_space<hbm>>) target(%arg6 : memref<200x128xf32, #tpu.memory_space<vmem>>) offsets(%dma_start3A_5 : memref<200xi32, #tpu.memory_space<vmem>>) semaphore(%arg10 : memref<!tpu.dma_semaphore, #tpu.memory_space<semaphore_mem>>)
    %scan3A = arith.constant 0 : i32
    %scan3A_9 = arith.constant 64 : i32
    %scan3A_10 = arith.addi %scan3A, %scan3A_9 : i32
    %scan3A_11 = arith.constant 1 : i32
    scf.for %scan3A_32 = %scan3A to %scan3A_10 step %scan3A_11  : i32 {
      %mul3A_33 = arith.constant 2 : i32
      %mul3A_34 = arith.muli %scan3A_32, %mul3A_33 : i32
      %add3A_35 = arith.constant 0 : i32
      %add3A_36 = arith.addi %add3A_35, %mul3A_34 : i32
      %add3A_37 = arith.constant 1 : i32
      %add3A_38 = arith.addi %add3A_36, %add3A_37 : i32
      %lt3A = arith.constant 128 : i32
      %lt3A_39 = arith.cmpi slt, %add3A_38, %lt3A : i32
      %convert_element_type3A = arith.extui %lt3A_39 : i1 to i32
      %cond3A = arith.constant 0 : i32
      %cond3A_40 = arith.cmpi ne, %convert_element_type3A, %cond3A : i32
      scf.if %cond3A_40 {
        %add3A_101 = arith.constant 1 : i32
        %add3A_102 = arith.addi %add3A_36, %add3A_101 : i32
        %mul3A_103 = arith.constant 200 : i32
        %mul3A_104 = arith.muli %add3A_102, %mul3A_103 : i32
        %dma_start3A_105 = tpu.memref_slice %arg5[%mul3A_104] : memref<25600xi32, #tpu.memory_space<vmem>> -> memref<200xi32, #tpu.memory_space<vmem>>
        %dma_start3A_106 = arith.constant 0 : i32
        %dma_start3A_107 = arith.constant 0 : i32
        %dma_start3A_108 = tpu.memref_slice %arg3[%dma_start3A_106, %dma_start3A_107] : memref<1000000x128xf32, #tpu.memory_space<hbm>> -> memref<1000000x128xf32, #tpu.memory_space<hbm>>
        tpu.enqueue_indirect_dma source(%dma_start3A_108 : memref<1000000x128xf32, #tpu.memory_space<hbm>>) target(%arg7 : memref<200x128xf32, #tpu.memory_space<vmem>>) offsets(%dma_start3A_105 : memref<200xi32, #tpu.memory_space<vmem>>) semaphore(%arg11 : memref<!tpu.dma_semaphore, #tpu.memory_space<semaphore_mem>>)
      } else {
      }
      %dma_wait3A_41 = arith.constant 0 : i32
      %dma_wait3A_42 = tpu.memref_slice %arg5[%dma_wait3A_41] : memref<25600xi32, #tpu.memory_space<vmem>> -> memref<200xi32, #tpu.memory_space<vmem>>
      %dma_wait3A_43 = arith.constant 0 : i32
      %dma_wait3A_44 = arith.constant 0 : i32
      %dma_wait3A_45 = tpu.memref_slice %arg3[%dma_wait3A_43, %dma_wait3A_44] : memref<1000000x128xf32, #tpu.memory_space<hbm>> -> memref<1000000x128xf32, #tpu.memory_space<hbm>>
      tpu.wait_indirect_dma semaphore(%arg10 : memref<!tpu.dma_semaphore, #tpu.memory_space<semaphore_mem>>) src(%dma_wait3A_45 : memref<1000000x128xf32, #tpu.memory_space<hbm>>) dst(%arg6 : memref<200x128xf32, #tpu.memory_space<vmem>>)
      %ge3A = arith.constant 2 : i32
      %ge3A_46 = arith.cmpi sge, %add3A_36, %ge3A : i32
      %convert_element_type3A_47 = arith.extui %ge3A_46 : i1 to i32
      %cond3A_48 = arith.constant 0 : i32
      %cond3A_49 = arith.cmpi ne, %convert_element_type3A_47, %cond3A_48 : i32
      scf.if %cond3A_49 {
        %dma_wait3A_101 = arith.constant 0 : i32
        %dma_wait3A_102 = arith.constant 0 : i32
        %dma_wait3A_103 = arith.constant 0 : i32
        %dma_wait3A_104 = tpu.memref_slice %arg4[%mul3A_4, %dma_wait3A_101, %dma_wait3A_102, %dma_wait3A_103] : memref<4096x25x8x64xf32, #tpu.memory_space<hbm>> -> memref<1x25x8x64xf32, #tpu.memory_space<hbm>>
        %dma_wait3A_105 = tpu.memref_squeeze %dma_wait3A_104 : memref<1x25x8x64xf32, #tpu.memory_space<hbm>> -> memref<25x8x64xf32, #tpu.memory_space<hbm>>
        %dma_wait3A_106 = arith.constant 0 : i32
        %dma_wait3A_107 = arith.constant 0 : i32
        %dma_wait3A_108 = arith.constant 0 : i32
        %dma_wait3A_109 = tpu.memref_slice %arg4[%mul3A_4, %dma_wait3A_106, %dma_wait3A_107, %dma_wait3A_108] : memref<4096x25x8x64xf32, #tpu.memory_space<hbm>> -> memref<1x25x8x64xf32, #tpu.memory_space<hbm>>
        %dma_wait3A_110 = tpu.memref_squeeze %dma_wait3A_109 : memref<1x25x8x64xf32, #tpu.memory_space<hbm>> -> memref<25x8x64xf32, #tpu.memory_space<hbm>>
        tpu.wait_dma2 semaphore(%arg12 : memref<!tpu.dma_semaphore, #tpu.memory_space<semaphore_mem>>) src(%arg8 : memref<25x8x64xf32, #tpu.memory_space<vmem>>) dst(%dma_wait3A_110 : memref<25x8x64xf32, #tpu.memory_space<hbm>>)
      } else {
      }
      %scan3A_50 = arith.constant 0 : i32
      %scan3A_51 = arith.constant 25 : i32
      %scan3A_52 = arith.addi %scan3A_50, %scan3A_51 : i32
      %scan3A_53 = arith.constant 1 : i32
      scf.for %scan3A_101 = %scan3A_50 to %scan3A_52 step %scan3A_53  : i32 {
        %mul3A_102 = arith.constant 1 : i32
        %mul3A_103 = arith.muli %scan3A_101, %mul3A_102 : i32
        %add3A_104 = arith.constant 0 : i32
        %add3A_105 = arith.addi %add3A_104, %mul3A_103 : i32
        %mul3A_106 = arith.constant 8 : i32
        %mul3A_107 = arith.muli %add3A_105, %mul3A_106 : i32
        %add3A_108 = arith.constant 0 : i32
        %add3A_109 = arith.addi %mul3A_107, %add3A_108 : i32
        %get3A = arith.index_cast %add3A_109 : i32 to index
        %get3A_110 = arith.constant 0 : index
        %get3A_111 = tpu.vector_load %arg6[%get3A, %get3A_110] {strides = array<i32>} : memref<200x128xf32, #tpu.memory_space<vmem>>, vector<1x16xf32>,
        %get3A_112 = vector.shape_cast %get3A_111 : vector<1x16xf32> to vector<16xf32>
        %swap3A = arith.constant 0 : i32
        %swap3A_113 = arith.index_cast %add3A_105 : i32 to index
        %swap3A_114 = arith.index_cast %swap3A : i32 to index
        %swap3A_115 = arith.constant 0 : index
        %swap3A_116 = tpu.vector_load %arg8[%swap3A_113, %swap3A_114, %swap3A_115] {strides = array<i32>} : memref<25x8x64xf32, #tpu.memory_space<vmem>>, vector<1x1x16xf32>,
        %swap3A_117 = vector.shape_cast %swap3A_116 : vector<1x1x16xf32> to vector<16xf32>
        %swap3A_118 = vector.shape_cast %get3A_112 : vector<16xf32> to vector<1x1x16xf32>
        tpu.vector_store %arg8[%swap3A_113, %swap3A_114, %swap3A_115], %swap3A_118 {strides = array<i32>} : memref<25x8x64xf32, #tpu.memory_space<vmem>>, vector<1x1x16xf32>,
        %mul3A_119 = arith.constant 8 : i32
        %mul3A_120 = arith.muli %add3A_105, %mul3A_119 : i32
        %add3A_121 = arith.constant 0 : i32
        %add3A_122 = arith.addi %mul3A_120, %add3A_121 : i32
        %get3A_123 = arith.index_cast %add3A_122 : i32 to index
        %get3A_124 = arith.constant 16 : index
        %get3A_125 = tpu.vector_load %arg6[%get3A_123, %get3A_124] {strides = array<i32>} : memref<200x128xf32, #tpu.memory_space<vmem>>, vector<1x16xf32>,
        %get3A_126 = vector.shape_cast %get3A_125 : vector<1x16xf32> to vector<16xf32>
        %swap3A_127 = arith.constant 0 : i32
        %swap3A_128 = arith.index_cast %add3A_105 : i32 to index
        %swap3A_129 = arith.index_cast %swap3A_127 : i32 to index
        %swap3A_130 = arith.constant 16 : index
        %swap3A_131 = tpu.vector_load %arg8[%swap3A_128, %swap3A_129, %swap3A_130] {strides = array<i32>} : memref<25x8x64xf32, #tpu.memory_space<vmem>>, vector<1x1x16xf32>,
        %swap3A_132 = vector.shape_cast %swap3A_131 : vector<1x1x16xf32> to vector<16xf32>
        %swap3A_133 = vector.shape_cast %get3A_126 : vector<16xf32> to vector<1x1x16xf32>
        tpu.vector_store %arg8[%swap3A_128, %swap3A_129, %swap3A_130], %swap3A_133 {strides = array<i32>} : memref<25x8x64xf32, #tpu.memory_space<vmem>>, vector<1x1x16xf32>,
        %mul3A_134 = arith.constant 8 : i32
        %mul3A_135 = arith.muli %add3A_105, %mul3A_134 : i32
        %add3A_136 = arith.constant 0 : i32
        %add3A_137 = arith.addi %mul3A_135, %add3A_136 : i32
        %get3A_138 = arith.index_cast %add3A_137 : i32 to index
        %get3A_139 = arith.constant 32 : index
        %get3A_140 = tpu.vector_load %arg6[%get3A_138, %get3A_139] {strides = array<i32>} : memref<200x128xf32, #tpu.memory_space<vmem>>, vector<1x16xf32>,
        %get3A_141 = vector.shape_cast %get3A_140 : vector<1x16xf32> to vector<16xf32>
        %swap3A_142 = arith.constant 0 : i32
        %swap3A_143 = arith.index_cast %add3A_105 : i32 to index
        %swap3A_144 = arith.index_cast %swap3A_142 : i32 to index
        %swap3A_145 = arith.constant 32 : index
        %swap3A_146 = tpu.vector_load %arg8[%swap3A_143, %swap3A_144, %swap3A_145] {strides = array<i32>} : memref<25x8x64xf32, #tpu.memory_space<vmem>>, vector<1x1x16xf32>,
        %swap3A_147 = vector.shape_cast %swap3A_146 : vector<1x1x16xf32> to vector<16xf32>
        %swap3A_148 = vector.shape_cast %get3A_141 : vector<16xf32> to vector<1x1x16xf32>
        tpu.vector_store %arg8[%swap3A_143, %swap3A_144, %swap3A_145], %swap3A_148 {strides = array<i32>} : memref<25x8x64xf32, #tpu.memory_space<vmem>>, vector<1x1x16xf32>,
        %mul3A_149 = arith.constant 8 : i32
        %mul3A_150 = arith.muli %add3A_105, %mul3A_149 : i32
        %add3A_151 = arith.constant 0 : i32
        %add3A_152 = arith.addi %mul3A_150, %add3A_151 : i32
        %get3A_153 = arith.index_cast %add3A_152 : i32 to index
        %get3A_154 = arith.constant 48 : index
        %get3A_155 = tpu.vector_load %arg6[%get3A_153, %get3A_154] {strides = array<i32>} : memref<200x128xf32, #tpu.memory_space<vmem>>, vector<1x16xf32>,
        %get3A_156 = vector.shape_cast %get3A_155 : vector<1x16xf32> to vector<16xf32>
        %swap3A_157 = arith.constant 0 : i32
        %swap3A_158 = arith.index_cast %add3A_105 : i32 to index
        %swap3A_159 = arith.index_cast %swap3A_157 : i32 to index
        %swap3A_160 = arith.constant 48 : index
        %swap3A_161 = tpu.vector_load %arg8[%swap3A_158, %swap3A_159, %swap3A_160] {strides = array<i32>} : memref<25x8x64xf32, #tpu.memory_space<vmem>>, vector<1x1x16xf32>,
        %swap3A_162 = vector.shape_cast %swap3A_161 : vector<1x1x16xf32> to vector<16xf32>
        %swap3A_163 = vector.shape_cast %get3A_156 : vector<16xf32> to vector<1x1x16xf32>
        tpu.vector_store %arg8[%swap3A_158, %swap3A_159, %swap3A_160], %swap3A_163 {strides = array<i32>} : memref<25x8x64xf32, #tpu.memory_space<vmem>>, vector<1x1x16xf32>,
        %mul3A_164 = arith.constant 8 : i32
        %mul3A_165 = arith.muli %add3A_105, %mul3A_164 : i32
        %add3A_166 = arith.constant 1 : i32
        %add3A_167 = arith.addi %mul3A_165, %add3A_166 : i32
        %get3A_168 = arith.index_cast %add3A_167 : i32 to index
        %get3A_169 = arith.constant 0 : index
        %get3A_170 = tpu.vector_load %arg6[%get3A_168, %get3A_169] {strides = array<i32>} : memref<200x128xf32, #tpu.memory_space<vmem>>, vector<1x16xf32>,
        %get3A_171 = vector.shape_cast %get3A_170 : vector<1x16xf32> to vector<16xf32>
        %swap3A_172 = arith.constant 1 : i32
        %swap3A_173 = arith.index_cast %add3A_105 : i32 to index
        %swap3A_174 = arith.index_cast %swap3A_172 : i32 to index
        %swap3A_175 = arith.constant 0 : index
        %swap3A_176 = tpu.vector_load %arg8[%swap3A_173, %swap3A_174, %swap3A_175] {strides = array<i32>} : memref<25x8x64xf32, #tpu.memory_space<vmem>>, vector<1x1x16xf32>,
        %swap3A_177 = vector.shape_cast %swap3A_176 : vector<1x1x16xf32> to vector<16xf32>
        %swap3A_178 = vector.shape_cast %get3A_171 : vector<16xf32> to vector<1x1x16xf32>
        tpu.vector_store %arg8[%swap3A_173, %swap3A_174, %swap3A_175], %swap3A_178 {strides = array<i32>} : memref<25x8x64xf32, #tpu.memory_space<vmem>>, vector<1x1x16xf32>,
        %mul3A_179 = arith.constant 8 : i32
        %mul3A_180 = arith.muli %add3A_105, %mul3A_179 : i32
        %add3A_181 = arith.constant 1 : i32
        %add3A_182 = arith.addi %mul3A_180, %add3A_181 : i32
        %get3A_183 = arith.index_cast %add3A_182 : i32 to index
        %get3A_184 = arith.constant 16 : index
        %get3A_185 = tpu.vector_load %arg6[%get3A_183, %get3A_184] {strides = array<i32>} : memref<200x128xf32, #tpu.memory_space<vmem>>, vector<1x16xf32>,
        %get3A_186 = vector.shape_cast %get3A_185 : vector<1x16xf32> to vector<16xf32>
        %swap3A_187 = arith.constant 1 : i32
        %swap3A_188 = arith.index_cast %add3A_105 : i32 to index
        %swap3A_189 = arith.index_cast %swap3A_187 : i32 to index
        %swap3A_190 = arith.constant 16 : index
        %swap3A_191 = tpu.vector_load %arg8[%swap3A_188, %swap3A_189, %swap3A_190] {strides = array<i32>} : memref<25x8x64xf32, #tpu.memory_space<vmem>>, vector<1x1x16xf32>,
        %swap3A_192 = vector.shape_cast %swap3A_191 : vector<1x1x16xf32> to vector<16xf32>
        %swap3A_193 = vector.shape_cast %get3A_186 : vector<16xf32> to vector<1x1x16xf32>
        tpu.vector_store %arg8[%swap3A_188, %swap3A_189, %swap3A_190], %swap3A_193 {strides = array<i32>} : memref<25x8x64xf32, #tpu.memory_space<vmem>>, vector<1x1x16xf32>,
        %mul3A_194 = arith.constant 8 : i32
        %mul3A_195 = arith.muli %add3A_105, %mul3A_194 : i32
        %add3A_196 = arith.constant 1 : i32
        %add3A_197 = arith.addi %mul3A_195, %add3A_196 : i32
        %get3A_198 = arith.index_cast %add3A_197 : i32 to index
        %get3A_199 = arith.constant 32 : index
        %get3A_200 = tpu.vector_load %arg6[%get3A_198, %get3A_199] {strides = array<i32>} : memref<200x128xf32, #tpu.memory_space<vmem>>, vector<1x16xf32>,
        %get3A_201 = vector.shape_cast %get3A_200 : vector<1x16xf32> to vector<16xf32>
        %swap3A_202 = arith.constant 1 : i32
        %swap3A_203 = arith.index_cast %add3A_105 : i32 to index
        %swap3A_204 = arith.index_cast %swap3A_202 : i32 to index
        %swap3A_205 = arith.constant 32 : index
        %swap3A_206 = tpu.vector_load %arg8[%swap3A_203, %swap3A_204, %swap3A_205] {strides = array<i32>} : memref<25x8x64xf32, #tpu.memory_space<vmem>>, vector<1x1x16xf32>,
        %swap3A_207 = vector.shape_cast %swap3A_206 : vector<1x1x16xf32> to vector<16xf32>
        %swap3A_208 = vector.shape_cast %get3A_201 : vector<16xf32> to vector<1x1x16xf32>
        tpu.vector_store %arg8[%swap3A_203, %swap3A_204, %swap3A_205], %swap3A_208 {strides = array<i32>} : memref<25x8x64xf32, #tpu.memory_space<vmem>>, vector<1x1x16xf32>,
        %mul3A_209 = arith.constant 8 : i32
        %mul3A_210 = arith.muli %add3A_105, %mul3A_209 : i32
        %add3A_211 = arith.constant 1 : i32
        %add3A_212 = arith.addi %mul3A_210, %add3A_211 : i32
        %get3A_213 = arith.index_cast %add3A_212 : i32 to index
        %get3A_214 = arith.constant 48 : index
        %get3A_215 = tpu.vector_load %arg6[%get3A_213, %get3A_214] {strides = array<i32>} : memref<200x128xf32, #tpu.memory_space<vmem>>, vector<1x16xf32>,
        %get3A_216 = vector.shape_cast %get3A_215 : vector<1x16xf32> to vector<16xf32>
        %swap3A_217 = arith.constant 1 : i32
        %swap3A_218 = arith.index_cast %add3A_105 : i32 to index
        %swap3A_219 = arith.index_cast %swap3A_217 : i32 to index
        %swap3A_220 = arith.constant 48 : index
        %swap3A_221 = tpu.vector_load %arg8[%swap3A_218, %swap3A_219, %swap3A_220] {strides = array<i32>} : memref<25x8x64xf32, #tpu.memory_space<vmem>>, vector<1x1x16xf32>,
        %swap3A_222 = vector.shape_cast %swap3A_221 : vector<1x1x16xf32> to vector<16xf32>
        %swap3A_223 = vector.shape_cast %get3A_216 : vector<16xf32> to vector<1x1x16xf32>
        tpu.vector_store %arg8[%swap3A_218, %swap3A_219, %swap3A_220], %swap3A_223 {strides = array<i32>} : memref<25x8x64xf32, #tpu.memory_space<vmem>>, vector<1x1x16xf32>,
        %mul3A_224 = arith.constant 8 : i32
        %mul3A_225 = arith.muli %add3A_105, %mul3A_224 : i32
        %add3A_226 = arith.constant 2 : i32
        %add3A_227 = arith.addi %mul3A_225, %add3A_226 : i32
        %get3A_228 = arith.index_cast %add3A_227 : i32 to index
        %get3A_229 = arith.constant 0 : index
        %get3A_230 = tpu.vector_load %arg6[%get3A_228, %get3A_229] {strides = array<i32>} : memref<200x128xf32, #tpu.memory_space<vmem>>, vector<1x16xf32>,
        %get3A_231 = vector.shape_cast %get3A_230 : vector<1x16xf32> to vector<16xf32>
        %swap3A_232 = arith.constant 2 : i32
        %swap3A_233 = arith.index_cast %add3A_105 : i32 to index
        %swap3A_234 = arith.index_cast %swap3A_232 : i32 to index
        %swap3A_235 = arith.constant 0 : index
        %swap3A_236 = tpu.vector_load %arg8[%swap3A_233, %swap3A_234, %swap3A_235] {strides = array<i32>} : memref<25x8x64xf32, #tpu.memory_space<vmem>>, vector<1x1x16xf32>,
        %swap3A_237 = vector.shape_cast %swap3A_236 : vector<1x1x16xf32> to vector<16xf32>
        %swap3A_238 = vector.shape_cast %get3A_231 : vector<16xf32> to vector<1x1x16xf32>
        tpu.vector_store %arg8[%swap3A_233, %swap3A_234, %swap3A_235], %swap3A_238 {strides = array<i32>} : memref<25x8x64xf32, #tpu.memory_space<vmem>>, vector<1x1x16xf32>,
        %mul3A_239 = arith.constant 8 : i32
        %mul3A_240 = arith.muli %add3A_105, %mul3A_239 : i32
        %add3A_241 = arith.constant 2 : i32
        %add3A_242 = arith.addi %mul3A_240, %add3A_241 : i32
        %get3A_243 = arith.index_cast %add3A_242 : i32 to index
        %get3A_244 = arith.constant 16 : index
        %get3A_245 = tpu.vector_load %arg6[%get3A_243, %get3A_244] {strides = array<i32>} : memref<200x128xf32, #tpu.memory_space<vmem>>, vector<1x16xf32>,
        %get3A_246 = vector.shape_cast %get3A_245 : vector<1x16xf32> to vector<16xf32>
        %swap3A_247 = arith.constant 2 : i32
        %swap3A_248 = arith.index_cast %add3A_105 : i32 to index
        %swap3A_249 = arith.index_cast %swap3A_247 : i32 to index
        %swap3A_250 = arith.constant 16 : index
        %swap3A_251 = tpu.vector_load %arg8[%swap3A_248, %swap3A_249, %swap3A_250] {strides = array<i32>} : memref<25x8x64xf32, #tpu.memory_space<vmem>>, vector<1x1x16xf32>,
        %swap3A_252 = vector.shape_cast %swap3A_251 : vector<1x1x16xf32> to vector<16xf32>
        %swap3A_253 = vector.shape_cast %get3A_246 : vector<16xf32> to vector<1x1x16xf32>
        tpu.vector_store %arg8[%swap3A_248, %swap3A_249, %swap3A_250], %swap3A_253 {strides = array<i32>} : memref<25x8x64xf32, #tpu.memory_space<vmem>>, vector<1x1x16xf32>,
        %mul3A_254 = arith.constant 8 : i32
        %mul3A_255 = arith.muli %add3A_105, %mul3A_254 : i32
        %add3A_256 = arith.constant 2 : i32
        %add3A_257 = arith.addi %mul3A_255, %add3A_256 : i32
        %get3A_258 = arith.index_cast %add3A_257 : i32 to index
        %get3A_259 = arith.constant 32 : index
        %get3A_260 = tpu.vector_load %arg6[%get3A_258, %get3A_259] {strides = array<i32>} : memref<200x128xf32, #tpu.memory_space<vmem>>, vector<1x16xf32>,
        %get3A_261 = vector.shape_cast %get3A_260 : vector<1x16xf32> to vector<16xf32>
        %swap3A_262 = arith.constant 2 : i32
        %swap3A_263 = arith.index_cast %add3A_105 : i32 to index
        %swap3A_264 = arith.index_cast %swap3A_262 : i32 to index
        %swap3A_265 = arith.constant 32 : index
        %swap3A_266 = tpu.vector_load %arg8[%swap3A_263, %swap3A_264, %swap3A_265] {strides = array<i32>} : memref<25x8x64xf32, #tpu.memory_space<vmem>>, vector<1x1x16xf32>,
        %swap3A_267 = vector.shape_cast %swap3A_266 : vector<1x1x16xf32> to vector<16xf32>
        %swap3A_268 = vector.shape_cast %get3A_261 : vector<16xf32> to vector<1x1x16xf32>
        tpu.vector_store %arg8[%swap3A_263, %swap3A_264, %swap3A_265], %swap3A_268 {strides = array<i32>} : memref<25x8x64xf32, #tpu.memory_space<vmem>>, vector<1x1x16xf32>,
        %mul3A_269 = arith.constant 8 : i32
        %mul3A_270 = arith.muli %add3A_105, %mul3A_269 : i32
        %add3A_271 = arith.constant 2 : i32
        %add3A_272 = arith.addi %mul3A_270, %add3A_271 : i32
        %get3A_273 = arith.index_cast %add3A_272 : i32 to index
        %get3A_274 = arith.constant 48 : index
        %get3A_275 = tpu.vector_load %arg6[%get3A_273, %get3A_274] {strides = array<i32>} : memref<200x128xf32, #tpu.memory_space<vmem>>, vector<1x16xf32>,
        %get3A_276 = vector.shape_cast %get3A_275 : vector<1x16xf32> to vector<16xf32>
        %swap3A_277 = arith.constant 2 : i32
        %swap3A_278 = arith.index_cast %add3A_105 : i32 to index
        %swap3A_279 = arith.index_cast %swap3A_277 : i32 to index
        %swap3A_280 = arith.constant 48 : index
        %swap3A_281 = tpu.vector_load %arg8[%swap3A_278, %swap3A_279, %swap3A_280] {strides = array<i32>} : memref<25x8x64xf32, #tpu.memory_space<vmem>>, vector<1x1x16xf32>,
        %swap3A_282 = vector.shape_cast %swap3A_281 : vector<1x1x16xf32> to vector<16xf32>
        %swap3A_283 = vector.shape_cast %get3A_276 : vector<16xf32> to vector<1x1x16xf32>
        tpu.vector_store %arg8[%swap3A_278, %swap3A_279, %swap3A_280], %swap3A_283 {strides = array<i32>} : memref<25x8x64xf32, #tpu.memory_space<vmem>>, vector<1x1x16xf32>,
        %mul3A_284 = arith.constant 8 : i32
        %mul3A_285 = arith.muli %add3A_105, %mul3A_284 : i32
        %add3A_286 = arith.constant 3 : i32
        %add3A_287 = arith.addi %mul3A_285, %add3A_286 : i32
        %get3A_288 = arith.index_cast %add3A_287 : i32 to index
        %get3A_289 = arith.constant 0 : index
        %get3A_290 = tpu.vector_load %arg6[%get3A_288, %get3A_289] {strides = array<i32>} : memref<200x128xf32, #tpu.memory_space<vmem>>, vector<1x16xf32>,
        %get3A_291 = vector.shape_cast %get3A_290 : vector<1x16xf32> to vector<16xf32>
        %swap3A_292 = arith.constant 3 : i32
        %swap3A_293 = arith.index_cast %add3A_105 : i32 to index
        %swap3A_294 = arith.index_cast %swap3A_292 : i32 to index
        %swap3A_295 = arith.constant 0 : index
        %swap3A_296 = tpu.vector_load %arg8[%swap3A_293, %swap3A_294, %swap3A_295] {strides = array<i32>} : memref<25x8x64xf32, #tpu.memory_space<vmem>>, vector<1x1x16xf32>,
        %swap3A_297 = vector.shape_cast %swap3A_296 : vector<1x1x16xf32> to vector<16xf32>
        %swap3A_298 = vector.shape_cast %get3A_291 : vector<16xf32> to vector<1x1x16xf32>
        tpu.vector_store %arg8[%swap3A_293, %swap3A_294, %swap3A_295], %swap3A_298 {strides = array<i32>} : memref<25x8x64xf32, #tpu.memory_space<vmem>>, vector<1x1x16xf32>,
        %mul3A_299 = arith.constant 8 : i32
        %mul3A_300 = arith.muli %add3A_105, %mul3A_299 : i32
        %add3A_301 = arith.constant 3 : i32
        %add3A_302 = arith.addi %mul3A_300, %add3A_301 : i32
        %get3A_303 = arith.index_cast %add3A_302 : i32 to index
        %get3A_304 = arith.constant 16 : index
        %get3A_305 = tpu.vector_load %arg6[%get3A_303, %get3A_304] {strides = array<i32>} : memref<200x128xf32, #tpu.memory_space<vmem>>, vector<1x16xf32>,
        %get3A_306 = vector.shape_cast %get3A_305 : vector<1x16xf32> to vector<16xf32>
        %swap3A_307 = arith.constant 3 : i32
        %swap3A_308 = arith.index_cast %add3A_105 : i32 to index
        %swap3A_309 = arith.index_cast %swap3A_307 : i32 to index
        %swap3A_310 = arith.constant 16 : index
        %swap3A_311 = tpu.vector_load %arg8[%swap3A_308, %swap3A_309, %swap3A_310] {strides = array<i32>} : memref<25x8x64xf32, #tpu.memory_space<vmem>>, vector<1x1x16xf32>,
        %swap3A_312 = vector.shape_cast %swap3A_311 : vector<1x1x16xf32> to vector<16xf32>
        %swap3A_313 = vector.shape_cast %get3A_306 : vector<16xf32> to vector<1x1x16xf32>
        tpu.vector_store %arg8[%swap3A_308, %swap3A_309, %swap3A_310], %swap3A_313 {strides = array<i32>} : memref<25x8x64xf32, #tpu.memory_space<vmem>>, vector<1x1x16xf32>,
        %mul3A_314 = arith.constant 8 : i32
        %mul3A_315 = arith.muli %add3A_105, %mul3A_314 : i32
        %add3A_316 = arith.constant 3 : i32
        %add3A_317 = arith.addi %mul3A_315, %add3A_316 : i32
        %get3A_318 = arith.index_cast %add3A_317 : i32 to index
        %get3A_319 = arith.constant 32 : index
        %get3A_320 = tpu.vector_load %arg6[%get3A_318, %get3A_319] {strides = array<i32>} : memref<200x128xf32, #tpu.memory_space<vmem>>, vector<1x16xf32>,
        %get3A_321 = vector.shape_cast %get3A_320 : vector<1x16xf32> to vector<16xf32>
        %swap3A_322 = arith.constant 3 : i32
        %swap3A_323 = arith.index_cast %add3A_105 : i32 to index
        %swap3A_324 = arith.index_cast %swap3A_322 : i32 to index
        %swap3A_325 = arith.constant 32 : index
        %swap3A_326 = tpu.vector_load %arg8[%swap3A_323, %swap3A_324, %swap3A_325] {strides = array<i32>} : memref<25x8x64xf32, #tpu.memory_space<vmem>>, vector<1x1x16xf32>,
        %swap3A_327 = vector.shape_cast %swap3A_326 : vector<1x1x16xf32> to vector<16xf32>
        %swap3A_328 = vector.shape_cast %get3A_321 : vector<16xf32> to vector<1x1x16xf32>
        tpu.vector_store %arg8[%swap3A_323, %swap3A_324, %swap3A_325], %swap3A_328 {strides = array<i32>} : memref<25x8x64xf32, #tpu.memory_space<vmem>>, vector<1x1x16xf32>,
        %mul3A_329 = arith.constant 8 : i32
        %mul3A_330 = arith.muli %add3A_105, %mul3A_329 : i32
        %add3A_331 = arith.constant 3 : i32
        %add3A_332 = arith.addi %mul3A_330, %add3A_331 : i32
        %get3A_333 = arith.index_cast %add3A_332 : i32 to index
        %get3A_334 = arith.constant 48 : index
        %get3A_335 = tpu.vector_load %arg6[%get3A_333, %get3A_334] {strides = array<i32>} : memref<200x128xf32, #tpu.memory_space<vmem>>, vector<1x16xf32>,
        %get3A_336 = vector.shape_cast %get3A_335 : vector<1x16xf32> to vector<16xf32>
        %swap3A_337 = arith.constant 3 : i32
        %swap3A_338 = arith.index_cast %add3A_105 : i32 to index
        %swap3A_339 = arith.index_cast %swap3A_337 : i32 to index
        %swap3A_340 = arith.constant 48 : index
        %swap3A_341 = tpu.vector_load %arg8[%swap3A_338, %swap3A_339, %swap3A_340] {strides = array<i32>} : memref<25x8x64xf32, #tpu.memory_space<vmem>>, vector<1x1x16xf32>,
        %swap3A_342 = vector.shape_cast %swap3A_341 : vector<1x1x16xf32> to vector<16xf32>
        %swap3A_343 = vector.shape_cast %get3A_336 : vector<16xf32> to vector<1x1x16xf32>
        tpu.vector_store %arg8[%swap3A_338, %swap3A_339, %swap3A_340], %swap3A_343 {strides = array<i32>} : memref<25x8x64xf32, #tpu.memory_space<vmem>>, vector<1x1x16xf32>,
        %mul3A_344 = arith.constant 8 : i32
        %mul3A_345 = arith.muli %add3A_105, %mul3A_344 : i32
        %add3A_346 = arith.constant 4 : i32
        %add3A_347 = arith.addi %mul3A_345, %add3A_346 : i32
        %get3A_348 = arith.index_cast %add3A_347 : i32 to index
        %get3A_349 = arith.constant 0 : index
        %get3A_350 = tpu.vector_load %arg6[%get3A_348, %get3A_349] {strides = array<i32>} : memref<200x128xf32, #tpu.memory_space<vmem>>, vector<1x16xf32>,
        %get3A_351 = vector.shape_cast %get3A_350 : vector<1x16xf32> to vector<16xf32>
        %swap3A_352 = arith.constant 4 : i32
        %swap3A_353 = arith.index_cast %add3A_105 : i32 to index
        %swap3A_354 = arith.index_cast %swap3A_352 : i32 to index
        %swap3A_355 = arith.constant 0 : index
        %swap3A_356 = tpu.vector_load %arg8[%swap3A_353, %swap3A_354, %swap3A_355] {strides = array<i32>} : memref<25x8x64xf32, #tpu.memory_space<vmem>>, vector<1x1x16xf32>,
        %swap3A_357 = vector.shape_cast %swap3A_356 : vector<1x1x16xf32> to vector<16xf32>
        %swap3A_358 = vector.shape_cast %get3A_351 : vector<16xf32> to vector<1x1x16xf32>
        tpu.vector_store %arg8[%swap3A_353, %swap3A_354, %swap3A_355], %swap3A_358 {strides = array<i32>} : memref<25x8x64xf32, #tpu.memory_space<vmem>>, vector<1x1x16xf32>,
        %mul3A_359 = arith.constant 8 : i32
        %mul3A_360 = arith.muli %add3A_105, %mul3A_359 : i32
        %add3A_361 = arith.constant 4 : i32
        %add3A_362 = arith.addi %mul3A_360, %add3A_361 : i32
        %get3A_363 = arith.index_cast %add3A_362 : i32 to index
        %get3A_364 = arith.constant 16 : index
        %get3A_365 = tpu.vector_load %arg6[%get3A_363, %get3A_364] {strides = array<i32>} : memref<200x128xf32, #tpu.memory_space<vmem>>, vector<1x16xf32>,
        %get3A_366 = vector.shape_cast %get3A_365 : vector<1x16xf32> to vector<16xf32>
        %swap3A_367 = arith.constant 4 : i32
        %swap3A_368 = arith.index_cast %add3A_105 : i32 to index
        %swap3A_369 = arith.index_cast %swap3A_367 : i32 to index
        %swap3A_370 = arith.constant 16 : index
        %swap3A_371 = tpu.vector_load %arg8[%swap3A_368, %swap3A_369, %swap3A_370] {strides = array<i32>} : memref<25x8x64xf32, #tpu.memory_space<vmem>>, vector<1x1x16xf32>,
        %swap3A_372 = vector.shape_cast %swap3A_371 : vector<1x1x16xf32> to vector<16xf32>
        %swap3A_373 = vector.shape_cast %get3A_366 : vector<16xf32> to vector<1x1x16xf32>
        tpu.vector_store %arg8[%swap3A_368, %swap3A_369, %swap3A_370], %swap3A_373 {strides = array<i32>} : memref<25x8x64xf32, #tpu.memory_space<vmem>>, vector<1x1x16xf32>,
        %mul3A_374 = arith.constant 8 : i32
        %mul3A_375 = arith.muli %add3A_105, %mul3A_374 : i32
        %add3A_376 = arith.constant 4 : i32
        %add3A_377 = arith.addi %mul3A_375, %add3A_376 : i32
        %get3A_378 = arith.index_cast %add3A_377 : i32 to index
        %get3A_379 = arith.constant 32 : index
        %get3A_380 = tpu.vector_load %arg6[%get3A_378, %get3A_379] {strides = array<i32>} : memref<200x128xf32, #tpu.memory_space<vmem>>, vector<1x16xf32>,
        %get3A_381 = vector.shape_cast %get3A_380 : vector<1x16xf32> to vector<16xf32>
        %swap3A_382 = arith.constant 4 : i32
        %swap3A_383 = arith.index_cast %add3A_105 : i32 to index
        %swap3A_384 = arith.index_cast %swap3A_382 : i32 to index
        %swap3A_385 = arith.constant 32 : index
        %swap3A_386 = tpu.vector_load %arg8[%swap3A_383, %swap3A_384, %swap3A_385] {strides = array<i32>} : memref<25x8x64xf32, #tpu.memory_space<vmem>>, vector<1x1x16xf32>,
        %swap3A_387 = vector.shape_cast %swap3A_386 : vector<1x1x16xf32> to vector<16xf32>
        %swap3A_388 = vector.shape_cast %get3A_381 : vector<16xf32> to vector<1x1x16xf32>
        tpu.vector_store %arg8[%swap3A_383, %swap3A_384, %swap3A_385], %swap3A_388 {strides = array<i32>} : memref<25x8x64xf32, #tpu.memory_space<vmem>>, vector<1x1x16xf32>,
        %mul3A_389 = arith.constant 8 : i32
        %mul3A_390 = arith.muli %add3A_105, %mul3A_389 : i32
        %add3A_391 = arith.constant 4 : i32
        %add3A_392 = arith.addi %mul3A_390, %add3A_391 : i32
        %get3A_393 = arith.index_cast %add3A_392 : i32 to index
        %get3A_394 = arith.constant 48 : index
        %get3A_395 = tpu.vector_load %arg6[%get3A_393, %get3A_394] {strides = array<i32>} : memref<200x128xf32, #tpu.memory_space<vmem>>, vector<1x16xf32>,
        %get3A_396 = vector.shape_cast %get3A_395 : vector<1x16xf32> to vector<16xf32>
        %swap3A_397 = arith.constant 4 : i32
        %swap3A_398 = arith.index_cast %add3A_105 : i32 to index
        %swap3A_399 = arith.index_cast %swap3A_397 : i32 to index
        %swap3A_400 = arith.constant 48 : index
        %swap3A_401 = tpu.vector_load %arg8[%swap3A_398, %swap3A_399, %swap3A_400] {strides = array<i32>} : memref<25x8x64xf32, #tpu.memory_space<vmem>>, vector<1x1x16xf32>,
        %swap3A_402 = vector.shape_cast %swap3A_401 : vector<1x1x16xf32> to vector<16xf32>
        %swap3A_403 = vector.shape_cast %get3A_396 : vector<16xf32> to vector<1x1x16xf32>
        tpu.vector_store %arg8[%swap3A_398, %swap3A_399, %swap3A_400], %swap3A_403 {strides = array<i32>} : memref<25x8x64xf32, #tpu.memory_space<vmem>>, vector<1x1x16xf32>,
        %mul3A_404 = arith.constant 8 : i32
        %mul3A_405 = arith.muli %add3A_105, %mul3A_404 : i32
        %add3A_406 = arith.constant 5 : i32
        %add3A_407 = arith.addi %mul3A_405, %add3A_406 : i32
        %get3A_408 = arith.index_cast %add3A_407 : i32 to index
        %get3A_409 = arith.constant 0 : index
        %get3A_410 = tpu.vector_load %arg6[%get3A_408, %get3A_409] {strides = array<i32>} : memref<200x128xf32, #tpu.memory_space<vmem>>, vector<1x16xf32>,
        %get3A_411 = vector.shape_cast %get3A_410 : vector<1x16xf32> to vector<16xf32>
        %swap3A_412 = arith.constant 5 : i32
        %swap3A_413 = arith.index_cast %add3A_105 : i32 to index
        %swap3A_414 = arith.index_cast %swap3A_412 : i32 to index
        %swap3A_415 = arith.constant 0 : index
        %swap3A_416 = tpu.vector_load %arg8[%swap3A_413, %swap3A_414, %swap3A_415] {strides = array<i32>} : memref<25x8x64xf32, #tpu.memory_space<vmem>>, vector<1x1x16xf32>,
        %swap3A_417 = vector.shape_cast %swap3A_416 : vector<1x1x16xf32> to vector<16xf32>
        %swap3A_418 = vector.shape_cast %get3A_411 : vector<16xf32> to vector<1x1x16xf32>
        tpu.vector_store %arg8[%swap3A_413, %swap3A_414, %swap3A_415], %swap3A_418 {strides = array<i32>} : memref<25x8x64xf32, #tpu.memory_space<vmem>>, vector<1x1x16xf32>,
        %mul3A_419 = arith.constant 8 : i32
        %mul3A_420 = arith.muli %add3A_105, %mul3A_419 : i32
        %add3A_421 = arith.constant 5 : i32
        %add3A_422 = arith.addi %mul3A_420, %add3A_421 : i32
        %get3A_423 = arith.index_cast %add3A_422 : i32 to index
        %get3A_424 = arith.constant 16 : index
        %get3A_425 = tpu.vector_load %arg6[%get3A_423, %get3A_424] {strides = array<i32>} : memref<200x128xf32, #tpu.memory_space<vmem>>, vector<1x16xf32>,
        %get3A_426 = vector.shape_cast %get3A_425 : vector<1x16xf32> to vector<16xf32>
        %swap3A_427 = arith.constant 5 : i32
        %swap3A_428 = arith.index_cast %add3A_105 : i32 to index
        %swap3A_429 = arith.index_cast %swap3A_427 : i32 to index
        %swap3A_430 = arith.constant 16 : index
        %swap3A_431 = tpu.vector_load %arg8[%swap3A_428, %swap3A_429, %swap3A_430] {strides = array<i32>} : memref<25x8x64xf32, #tpu.memory_space<vmem>>, vector<1x1x16xf32>,
        %swap3A_432 = vector.shape_cast %swap3A_431 : vector<1x1x16xf32> to vector<16xf32>
        %swap3A_433 = vector.shape_cast %get3A_426 : vector<16xf32> to vector<1x1x16xf32>
        tpu.vector_store %arg8[%swap3A_428, %swap3A_429, %swap3A_430], %swap3A_433 {strides = array<i32>} : memref<25x8x64xf32, #tpu.memory_space<vmem>>, vector<1x1x16xf32>,
        %mul3A_434 = arith.constant 8 : i32
        %mul3A_435 = arith.muli %add3A_105, %mul3A_434 : i32
        %add3A_436 = arith.constant 5 : i32
        %add3A_437 = arith.addi %mul3A_435, %add3A_436 : i32
        %get3A_438 = arith.index_cast %add3A_437 : i32 to index
        %get3A_439 = arith.constant 32 : index
        %get3A_440 = tpu.vector_load %arg6[%get3A_438, %get3A_439] {strides = array<i32>} : memref<200x128xf32, #tpu.memory_space<vmem>>, vector<1x16xf32>,
        %get3A_441 = vector.shape_cast %get3A_440 : vector<1x16xf32> to vector<16xf32>
        %swap3A_442 = arith.constant 5 : i32
        %swap3A_443 = arith.index_cast %add3A_105 : i32 to index
        %swap3A_444 = arith.index_cast %swap3A_442 : i32 to index
        %swap3A_445 = arith.constant 32 : index
        %swap3A_446 = tpu.vector_load %arg8[%swap3A_443, %swap3A_444, %swap3A_445] {strides = array<i32>} : memref<25x8x64xf32, #tpu.memory_space<vmem>>, vector<1x1x16xf32>,
        %swap3A_447 = vector.shape_cast %swap3A_446 : vector<1x1x16xf32> to vector<16xf32>
        %swap3A_448 = vector.shape_cast %get3A_441 : vector<16xf32> to vector<1x1x16xf32>
        tpu.vector_store %arg8[%swap3A_443, %swap3A_444, %swap3A_445], %swap3A_448 {strides = array<i32>} : memref<25x8x64xf32, #tpu.memory_space<vmem>>, vector<1x1x16xf32>,
        %mul3A_449 = arith.constant 8 : i32
        %mul3A_450 = arith.muli %add3A_105, %mul3A_449 : i32
        %add3A_451 = arith.constant 5 : i32
        %add3A_452 = arith.addi %mul3A_450, %add3A_451 : i32
        %get3A_453 = arith.index_cast %add3A_452 : i32 to index
        %get3A_454 = arith.constant 48 : index
        %get3A_455 = tpu.vector_load %arg6[%get3A_453, %get3A_454] {strides = array<i32>} : memref<200x128xf32, #tpu.memory_space<vmem>>, vector<1x16xf32>,
        %get3A_456 = vector.shape_cast %get3A_455 : vector<1x16xf32> to vector<16xf32>
        %swap3A_457 = arith.constant 5 : i32
        %swap3A_458 = arith.index_cast %add3A_105 : i32 to index
        %swap3A_459 = arith.index_cast %swap3A_457 : i32 to index
        %swap3A_460 = arith.constant 48 : index
        %swap3A_461 = tpu.vector_load %arg8[%swap3A_458, %swap3A_459, %swap3A_460] {strides = array<i32>} : memref<25x8x64xf32, #tpu.memory_space<vmem>>, vector<1x1x16xf32>,
        %swap3A_462 = vector.shape_cast %swap3A_461 : vector<1x1x16xf32> to vector<16xf32>
        %swap3A_463 = vector.shape_cast %get3A_456 : vector<16xf32> to vector<1x1x16xf32>
        tpu.vector_store %arg8[%swap3A_458, %swap3A_459, %swap3A_460], %swap3A_463 {strides = array<i32>} : memref<25x8x64xf32, #tpu.memory_space<vmem>>, vector<1x1x16xf32>,
        %mul3A_464 = arith.constant 8 : i32
        %mul3A_465 = arith.muli %add3A_105, %mul3A_464 : i32
        %add3A_466 = arith.constant 6 : i32
        %add3A_467 = arith.addi %mul3A_465, %add3A_466 : i32
        %get3A_468 = arith.index_cast %add3A_467 : i32 to index
        %get3A_469 = arith.constant 0 : index
        %get3A_470 = tpu.vector_load %arg6[%get3A_468, %get3A_469] {strides = array<i32>} : memref<200x128xf32, #tpu.memory_space<vmem>>, vector<1x16xf32>,
        %get3A_471 = vector.shape_cast %get3A_470 : vector<1x16xf32> to vector<16xf32>
        %swap3A_472 = arith.constant 6 : i32
        %swap3A_473 = arith.index_cast %add3A_105 : i32 to index
        %swap3A_474 = arith.index_cast %swap3A_472 : i32 to index
        %swap3A_475 = arith.constant 0 : index
        %swap3A_476 = tpu.vector_load %arg8[%swap3A_473, %swap3A_474, %swap3A_475] {strides = array<i32>} : memref<25x8x64xf32, #tpu.memory_space<vmem>>, vector<1x1x16xf32>,
        %swap3A_477 = vector.shape_cast %swap3A_476 : vector<1x1x16xf32> to vector<16xf32>
        %swap3A_478 = vector.shape_cast %get3A_471 : vector<16xf32> to vector<1x1x16xf32>
        tpu.vector_store %arg8[%swap3A_473, %swap3A_474, %swap3A_475], %swap3A_478 {strides = array<i32>} : memref<25x8x64xf32, #tpu.memory_space<vmem>>, vector<1x1x16xf32>,
        %mul3A_479 = arith.constant 8 : i32
        %mul3A_480 = arith.muli %add3A_105, %mul3A_479 : i32
        %add3A_481 = arith.constant 6 : i32
        %add3A_482 = arith.addi %mul3A_480, %add3A_481 : i32
        %get3A_483 = arith.index_cast %add3A_482 : i32 to index
        %get3A_484 = arith.constant 16 : index
        %get3A_485 = tpu.vector_load %arg6[%get3A_483, %get3A_484] {strides = array<i32>} : memref<200x128xf32, #tpu.memory_space<vmem>>, vector<1x16xf32>,
        %get3A_486 = vector.shape_cast %get3A_485 : vector<1x16xf32> to vector<16xf32>
        %swap3A_487 = arith.constant 6 : i32
        %swap3A_488 = arith.index_cast %add3A_105 : i32 to index
        %swap3A_489 = arith.index_cast %swap3A_487 : i32 to index
        %swap3A_490 = arith.constant 16 : index
        %swap3A_491 = tpu.vector_load %arg8[%swap3A_488, %swap3A_489, %swap3A_490] {strides = array<i32>} : memref<25x8x64xf32, #tpu.memory_space<vmem>>, vector<1x1x16xf32>,
        %swap3A_492 = vector.shape_cast %swap3A_491 : vector<1x1x16xf32> to vector<16xf32>
        %swap3A_493 = vector.shape_cast %get3A_486 : vector<16xf32> to vector<1x1x16xf32>
        tpu.vector_store %arg8[%swap3A_488, %swap3A_489, %swap3A_490], %swap3A_493 {strides = array<i32>} : memref<25x8x64xf32, #tpu.memory_space<vmem>>, vector<1x1x16xf32>,
        %mul3A_494 = arith.constant 8 : i32
        %mul3A_495 = arith.muli %add3A_105, %mul3A_494 : i32
        %add3A_496 = arith.constant 6 : i32
        %add3A_497 = arith.addi %mul3A_495, %add3A_496 : i32
        %get3A_498 = arith.index_cast %add3A_497 : i32 to index
        %get3A_499 = arith.constant 32 : index
        %get3A_500 = tpu.vector_load %arg6[%get3A_498, %get3A_499] {strides = array<i32>} : memref<200x128xf32, #tpu.memory_space<vmem>>, vector<1x16xf32>,
        %get3A_501 = vector.shape_cast %get3A_500 : vector<1x16xf32> to vector<16xf32>
        %swap3A_502 = arith.constant 6 : i32
        %swap3A_503 = arith.index_cast %add3A_105 : i32 to index
        %swap3A_504 = arith.index_cast %swap3A_502 : i32 to index
        %swap3A_505 = arith.constant 32 : index
        %swap3A_506 = tpu.vector_load %arg8[%swap3A_503, %swap3A_504, %swap3A_505] {strides = array<i32>} : memref<25x8x64xf32, #tpu.memory_space<vmem>>, vector<1x1x16xf32>,
        %swap3A_507 = vector.shape_cast %swap3A_506 : vector<1x1x16xf32> to vector<16xf32>
        %swap3A_508 = vector.shape_cast %get3A_501 : vector<16xf32> to vector<1x1x16xf32>
        tpu.vector_store %arg8[%swap3A_503, %swap3A_504, %swap3A_505], %swap3A_508 {strides = array<i32>} : memref<25x8x64xf32, #tpu.memory_space<vmem>>, vector<1x1x16xf32>,
        %mul3A_509 = arith.constant 8 : i32
        %mul3A_510 = arith.muli %add3A_105, %mul3A_509 : i32
        %add3A_511 = arith.constant 6 : i32
        %add3A_512 = arith.addi %mul3A_510, %add3A_511 : i32
        %get3A_513 = arith.index_cast %add3A_512 : i32 to index
        %get3A_514 = arith.constant 48 : index
        %get3A_515 = tpu.vector_load %arg6[%get3A_513, %get3A_514] {strides = array<i32>} : memref<200x128xf32, #tpu.memory_space<vmem>>, vector<1x16xf32>,
        %get3A_516 = vector.shape_cast %get3A_515 : vector<1x16xf32> to vector<16xf32>
        %swap3A_517 = arith.constant 6 : i32
        %swap3A_518 = arith.index_cast %add3A_105 : i32 to index
        %swap3A_519 = arith.index_cast %swap3A_517 : i32 to index
        %swap3A_520 = arith.constant 48 : index
        %swap3A_521 = tpu.vector_load %arg8[%swap3A_518, %swap3A_519, %swap3A_520] {strides = array<i32>} : memref<25x8x64xf32, #tpu.memory_space<vmem>>, vector<1x1x16xf32>,
        %swap3A_522 = vector.shape_cast %swap3A_521 : vector<1x1x16xf32> to vector<16xf32>
        %swap3A_523 = vector.shape_cast %get3A_516 : vector<16xf32> to vector<1x1x16xf32>
        tpu.vector_store %arg8[%swap3A_518, %swap3A_519, %swap3A_520], %swap3A_523 {strides = array<i32>} : memref<25x8x64xf32, #tpu.memory_space<vmem>>, vector<1x1x16xf32>,
        %mul3A_524 = arith.constant 8 : i32
        %mul3A_525 = arith.muli %add3A_105, %mul3A_524 : i32
        %add3A_526 = arith.constant 7 : i32
        %add3A_527 = arith.addi %mul3A_525, %add3A_526 : i32
        %get3A_528 = arith.index_cast %add3A_527 : i32 to index
        %get3A_529 = arith.constant 0 : index
        %get3A_530 = tpu.vector_load %arg6[%get3A_528, %get3A_529] {strides = array<i32>} : memref<200x128xf32, #tpu.memory_space<vmem>>, vector<1x16xf32>,
        %get3A_531 = vector.shape_cast %get3A_530 : vector<1x16xf32> to vector<16xf32>
        %swap3A_532 = arith.constant 7 : i32
        %swap3A_533 = arith.index_cast %add3A_105 : i32 to index
        %swap3A_534 = arith.index_cast %swap3A_532 : i32 to index
        %swap3A_535 = arith.constant 0 : index
        %swap3A_536 = tpu.vector_load %arg8[%swap3A_533, %swap3A_534, %swap3A_535] {strides = array<i32>} : memref<25x8x64xf32, #tpu.memory_space<vmem>>, vector<1x1x16xf32>,
        %swap3A_537 = vector.shape_cast %swap3A_536 : vector<1x1x16xf32> to vector<16xf32>
        %swap3A_538 = vector.shape_cast %get3A_531 : vector<16xf32> to vector<1x1x16xf32>
        tpu.vector_store %arg8[%swap3A_533, %swap3A_534, %swap3A_535], %swap3A_538 {strides = array<i32>} : memref<25x8x64xf32, #tpu.memory_space<vmem>>, vector<1x1x16xf32>,
        %mul3A_539 = arith.constant 8 : i32
        %mul3A_540 = arith.muli %add3A_105, %mul3A_539 : i32
        %add3A_541 = arith.constant 7 : i32
        %add3A_542 = arith.addi %mul3A_540, %add3A_541 : i32
        %get3A_543 = arith.index_cast %add3A_542 : i32 to index
        %get3A_544 = arith.constant 16 : index
        %get3A_545 = tpu.vector_load %arg6[%get3A_543, %get3A_544] {strides = array<i32>} : memref<200x128xf32, #tpu.memory_space<vmem>>, vector<1x16xf32>,
        %get3A_546 = vector.shape_cast %get3A_545 : vector<1x16xf32> to vector<16xf32>
        %swap3A_547 = arith.constant 7 : i32
        %swap3A_548 = arith.index_cast %add3A_105 : i32 to index
        %swap3A_549 = arith.index_cast %swap3A_547 : i32 to index
        %swap3A_550 = arith.constant 16 : index
        %swap3A_551 = tpu.vector_load %arg8[%swap3A_548, %swap3A_549, %swap3A_550] {strides = array<i32>} : memref<25x8x64xf32, #tpu.memory_space<vmem>>, vector<1x1x16xf32>,
        %swap3A_552 = vector.shape_cast %swap3A_551 : vector<1x1x16xf32> to vector<16xf32>
        %swap3A_553 = vector.shape_cast %get3A_546 : vector<16xf32> to vector<1x1x16xf32>
        tpu.vector_store %arg8[%swap3A_548, %swap3A_549, %swap3A_550], %swap3A_553 {strides = array<i32>} : memref<25x8x64xf32, #tpu.memory_space<vmem>>, vector<1x1x16xf32>,
        %mul3A_554 = arith.constant 8 : i32
        %mul3A_555 = arith.muli %add3A_105, %mul3A_554 : i32
        %add3A_556 = arith.constant 7 : i32
        %add3A_557 = arith.addi %mul3A_555, %add3A_556 : i32
        %get3A_558 = arith.index_cast %add3A_557 : i32 to index
        %get3A_559 = arith.constant 32 : index
        %get3A_560 = tpu.vector_load %arg6[%get3A_558, %get3A_559] {strides = array<i32>} : memref<200x128xf32, #tpu.memory_space<vmem>>, vector<1x16xf32>,
        %get3A_561 = vector.shape_cast %get3A_560 : vector<1x16xf32> to vector<16xf32>
        %swap3A_562 = arith.constant 7 : i32
        %swap3A_563 = arith.index_cast %add3A_105 : i32 to index
        %swap3A_564 = arith.index_cast %swap3A_562 : i32 to index
        %swap3A_565 = arith.constant 32 : index
        %swap3A_566 = tpu.vector_load %arg8[%swap3A_563, %swap3A_564, %swap3A_565] {strides = array<i32>} : memref<25x8x64xf32, #tpu.memory_space<vmem>>, vector<1x1x16xf32>,
        %swap3A_567 = vector.shape_cast %swap3A_566 : vector<1x1x16xf32> to vector<16xf32>
        %swap3A_568 = vector.shape_cast %get3A_561 : vector<16xf32> to vector<1x1x16xf32>
        tpu.vector_store %arg8[%swap3A_563, %swap3A_564, %swap3A_565], %swap3A_568 {strides = array<i32>} : memref<25x8x64xf32, #tpu.memory_space<vmem>>, vector<1x1x16xf32>,
        %mul3A_569 = arith.constant 8 : i32
        %mul3A_570 = arith.muli %add3A_105, %mul3A_569 : i32
        %add3A_571 = arith.constant 7 : i32
        %add3A_572 = arith.addi %mul3A_570, %add3A_571 : i32
        %get3A_573 = arith.index_cast %add3A_572 : i32 to index
        %get3A_574 = arith.constant 48 : index
        %get3A_575 = tpu.vector_load %arg6[%get3A_573, %get3A_574] {strides = array<i32>} : memref<200x128xf32, #tpu.memory_space<vmem>>, vector<1x16xf32>,
        %get3A_576 = vector.shape_cast %get3A_575 : vector<1x16xf32> to vector<16xf32>
        %swap3A_577 = arith.constant 7 : i32
        %swap3A_578 = arith.index_cast %add3A_105 : i32 to index
        %swap3A_579 = arith.index_cast %swap3A_577 : i32 to index
        %swap3A_580 = arith.constant 48 : index
        %swap3A_581 = tpu.vector_load %arg8[%swap3A_578, %swap3A_579, %swap3A_580] {strides = array<i32>} : memref<25x8x64xf32, #tpu.memory_space<vmem>>, vector<1x1x16xf32>,
        %swap3A_582 = vector.shape_cast %swap3A_581 : vector<1x1x16xf32> to vector<16xf32>
        %swap3A_583 = vector.shape_cast %get3A_576 : vector<16xf32> to vector<1x1x16xf32>
        tpu.vector_store %arg8[%swap3A_578, %swap3A_579, %swap3A_580], %swap3A_583 {strides = array<i32>} : memref<25x8x64xf32, #tpu.memory_space<vmem>>, vector<1x1x16xf32>,
      }
      %scan3A_54 = arith.constant 25 : i32
      %add3A_55 = arith.addi %mul3A_4, %add3A_36 : i32
      %dma_start3A_56 = arith.constant 0 : i32
      %dma_start3A_57 = arith.constant 0 : i32
      %dma_start3A_58 = arith.constant 0 : i32
      %dma_start3A_59 = tpu.memref_slice %arg4[%add3A_55, %dma_start3A_56, %dma_start3A_57, %dma_start3A_58] : memref<4096x25x8x64xf32, #tpu.memory_space<hbm>> -> memref<1x25x8x64xf32, #tpu.memory_space<hbm>>
      %dma_start3A_60 = tpu.memref_squeeze %dma_start3A_59 : memref<1x25x8x64xf32, #tpu.memory_space<hbm>> -> memref<25x8x64xf32, #tpu.memory_space<hbm>>
      %dma_start3A_61 = arith.constant 0 : i32
      %dma_start3A_62 = arith.constant 0 : i32
      %dma_start3A_63 = arith.constant 0 : i32
      %dma_start3A_64 = tpu.memref_slice %arg4[%add3A_55, %dma_start3A_61, %dma_start3A_62, %dma_start3A_63] : memref<4096x25x8x64xf32, #tpu.memory_space<hbm>> -> memref<1x25x8x64xf32, #tpu.memory_space<hbm>>
      %dma_start3A_65 = tpu.memref_squeeze %dma_start3A_64 : memref<1x25x8x64xf32, #tpu.memory_space<hbm>> -> memref<25x8x64xf32, #tpu.memory_space<hbm>>
      tpu.enqueue_dma source(%arg8 : memref<25x8x64xf32, #tpu.memory_space<vmem>>) target(%dma_start3A_65 : memref<25x8x64xf32, #tpu.memory_space<hbm>>) target_semaphore(%arg12 : memref<!tpu.dma_semaphore, #tpu.memory_space<semaphore_mem>>)
      %add3A_66 = arith.constant 1 : i32
      %add3A_67 = arith.addi %add3A_36, %add3A_66 : i32
      %add3A_68 = arith.constant 1 : i32
      %add3A_69 = arith.addi %add3A_67, %add3A_68 : i32
      %lt3A_70 = arith.constant 128 : i32
      %lt3A_71 = arith.cmpi slt, %add3A_69, %lt3A_70 : i32
      %convert_element_type3A_72 = arith.extui %lt3A_71 : i1 to i32
      %cond3A_73 = arith.constant 0 : i32
      %cond3A_74 = arith.cmpi ne, %convert_element_type3A_72, %cond3A_73 : i32
      scf.if %cond3A_74 {
        %add3A_101 = arith.constant 1 : i32
        %add3A_102 = arith.addi %add3A_67, %add3A_101 : i32
        %mul3A_103 = arith.constant 200 : i32
        %mul3A_104 = arith.muli %add3A_102, %mul3A_103 : i32
        %dma_start3A_105 = tpu.memref_slice %arg5[%mul3A_104] : memref<25600xi32, #tpu.memory_space<vmem>> -> memref<200xi32, #tpu.memory_space<vmem>>
        %dma_start3A_106 = arith.constant 0 : i32
        %dma_start3A_107 = arith.constant 0 : i32
        %dma_start3A_108 = tpu.memref_slice %arg3[%dma_start3A_106, %dma_start3A_107] : memref<1000000x128xf32, #tpu.memory_space<hbm>> -> memref<1000000x128xf32, #tpu.memory_space<hbm>>
        tpu.enqueue_indirect_dma source(%dma_start3A_108 : memref<1000000x128xf32, #tpu.memory_space<hbm>>) target(%arg6 : memref<200x128xf32, #tpu.memory_space<vmem>>) offsets(%dma_start3A_105 : memref<200xi32, #tpu.memory_space<vmem>>) semaphore(%arg10 : memref<!tpu.dma_semaphore, #tpu.memory_space<semaphore_mem>>)
      } else {
      }
      %dma_wait3A_75 = arith.constant 0 : i32
      %dma_wait3A_76 = tpu.memref_slice %arg5[%dma_wait3A_75] : memref<25600xi32, #tpu.memory_space<vmem>> -> memref<200xi32, #tpu.memory_space<vmem>>
      %dma_wait3A_77 = arith.constant 0 : i32
      %dma_wait3A_78 = arith.constant 0 : i32
      %dma_wait3A_79 = tpu.memref_slice %arg3[%dma_wait3A_77, %dma_wait3A_78] : memref<1000000x128xf32, #tpu.memory_space<hbm>> -> memref<1000000x128xf32, #tpu.memory_space<hbm>>
      tpu.wait_indirect_dma semaphore(%arg11 : memref<!tpu.dma_semaphore, #tpu.memory_space<semaphore_mem>>) src(%dma_wait3A_79 : memref<1000000x128xf32, #tpu.memory_space<hbm>>) dst(%arg7 : memref<200x128xf32, #tpu.memory_space<vmem>>)
      %ge3A_80 = arith.constant 2 : i32
      %ge3A_81 = arith.cmpi sge, %add3A_67, %ge3A_80 : i32
      %convert_element_type3A_82 = arith.extui %ge3A_81 : i1 to i32
      %cond3A_83 = arith.constant 0 : i32
      %cond3A_84 = arith.cmpi ne, %convert_element_type3A_82, %cond3A_83 : i32
      scf.if %cond3A_84 {
        %dma_wait3A_101 = arith.constant 0 : i32
        %dma_wait3A_102 = arith.constant 0 : i32
        %dma_wait3A_103 = arith.constant 0 : i32
        %dma_wait3A_104 = tpu.memref_slice %arg4[%mul3A_4, %dma_wait3A_101, %dma_wait3A_102, %dma_wait3A_103] : memref<4096x25x8x64xf32, #tpu.memory_space<hbm>> -> memref<1x25x8x64xf32, #tpu.memory_space<hbm>>
        %dma_wait3A_105 = tpu.memref_squeeze %dma_wait3A_104 : memref<1x25x8x64xf32, #tpu.memory_space<hbm>> -> memref<25x8x64xf32, #tpu.memory_space<hbm>>
        %dma_wait3A_106 = arith.constant 0 : i32
        %dma_wait3A_107 = arith.constant 0 : i32
        %dma_wait3A_108 = arith.constant 0 : i32
        %dma_wait3A_109 = tpu.memref_slice %arg4[%mul3A_4, %dma_wait3A_106, %dma_wait3A_107, %dma_wait3A_108] : memref<4096x25x8x64xf32, #tpu.memory_space<hbm>> -> memref<1x25x8x64xf32, #tpu.memory_space<hbm>>
        %dma_wait3A_110 = tpu.memref_squeeze %dma_wait3A_109 : memref<1x25x8x64xf32, #tpu.memory_space<hbm>> -> memref<25x8x64xf32, #tpu.memory_space<hbm>>
        tpu.wait_dma2 semaphore(%arg13 : memref<!tpu.dma_semaphore, #tpu.memory_space<semaphore_mem>>) src(%arg9 : memref<25x8x64xf32, #tpu.memory_space<vmem>>) dst(%dma_wait3A_110 : memref<25x8x64xf32, #tpu.memory_space<hbm>>)
      } else {
      }
      %scan3A_85 = arith.constant 0 : i32
      %scan3A_86 = arith.constant 25 : i32
      %scan3A_87 = arith.addi %scan3A_85, %scan3A_86 : i32
      %scan3A_88 = arith.constant 1 : i32
      scf.for %scan3A_101 = %scan3A_85 to %scan3A_87 step %scan3A_88  : i32 {
        %mul3A_102 = arith.constant 1 : i32
        %mul3A_103 = arith.muli %scan3A_101, %mul3A_102 : i32
        %add3A_104 = arith.constant 0 : i32
        %add3A_105 = arith.addi %add3A_104, %mul3A_103 : i32
        %mul3A_106 = arith.constant 8 : i32
        %mul3A_107 = arith.muli %add3A_105, %mul3A_106 : i32
        %add3A_108 = arith.constant 0 : i32
        %add3A_109 = arith.addi %mul3A_107, %add3A_108 : i32
        %get3A = arith.index_cast %add3A_109 : i32 to index
        %get3A_110 = arith.constant 0 : index
        %get3A_111 = tpu.vector_load %arg7[%get3A, %get3A_110] {strides = array<i32>} : memref<200x128xf32, #tpu.memory_space<vmem>>, vector<1x16xf32>,
        %get3A_112 = vector.shape_cast %get3A_111 : vector<1x16xf32> to vector<16xf32>
        %swap3A = arith.constant 0 : i32
        %swap3A_113 = arith.index_cast %add3A_105 : i32 to index
        %swap3A_114 = arith.index_cast %swap3A : i32 to index
        %swap3A_115 = arith.constant 0 : index
        %swap3A_116 = tpu.vector_load %arg9[%swap3A_113, %swap3A_114, %swap3A_115] {strides = array<i32>} : memref<25x8x64xf32, #tpu.memory_space<vmem>>, vector<1x1x16xf32>,
        %swap3A_117 = vector.shape_cast %swap3A_116 : vector<1x1x16xf32> to vector<16xf32>
        %swap3A_118 = vector.shape_cast %get3A_112 : vector<16xf32> to vector<1x1x16xf32>
        tpu.vector_store %arg9[%swap3A_113, %swap3A_114, %swap3A_115], %swap3A_118 {strides = array<i32>} : memref<25x8x64xf32, #tpu.memory_space<vmem>>, vector<1x1x16xf32>,
        %mul3A_119 = arith.constant 8 : i32
        %mul3A_120 = arith.muli %add3A_105, %mul3A_119 : i32
        %add3A_121 = arith.constant 0 : i32
        %add3A_122 = arith.addi %mul3A_120, %add3A_121 : i32
        %get3A_123 = arith.index_cast %add3A_122 : i32 to index
        %get3A_124 = arith.constant 16 : index
        %get3A_125 = tpu.vector_load %arg7[%get3A_123, %get3A_124] {strides = array<i32>} : memref<200x128xf32, #tpu.memory_space<vmem>>, vector<1x16xf32>,
        %get3A_126 = vector.shape_cast %get3A_125 : vector<1x16xf32> to vector<16xf32>
        %swap3A_127 = arith.constant 0 : i32
        %swap3A_128 = arith.index_cast %add3A_105 : i32 to index
        %swap3A_129 = arith.index_cast %swap3A_127 : i32 to index
        %swap3A_130 = arith.constant 16 : index
        %swap3A_131 = tpu.vector_load %arg9[%swap3A_128, %swap3A_129, %swap3A_130] {strides = array<i32>} : memref<25x8x64xf32, #tpu.memory_space<vmem>>, vector<1x1x16xf32>,
        %swap3A_132 = vector.shape_cast %swap3A_131 : vector<1x1x16xf32> to vector<16xf32>
        %swap3A_133 = vector.shape_cast %get3A_126 : vector<16xf32> to vector<1x1x16xf32>
        tpu.vector_store %arg9[%swap3A_128, %swap3A_129, %swap3A_130], %swap3A_133 {strides = array<i32>} : memref<25x8x64xf32, #tpu.memory_space<vmem>>, vector<1x1x16xf32>,
        %mul3A_134 = arith.constant 8 : i32
        %mul3A_135 = arith.muli %add3A_105, %mul3A_134 : i32
        %add3A_136 = arith.constant 0 : i32
        %add3A_137 = arith.addi %mul3A_135, %add3A_136 : i32
        %get3A_138 = arith.index_cast %add3A_137 : i32 to index
        %get3A_139 = arith.constant 32 : index
        %get3A_140 = tpu.vector_load %arg7[%get3A_138, %get3A_139] {strides = array<i32>} : memref<200x128xf32, #tpu.memory_space<vmem>>, vector<1x16xf32>,
        %get3A_141 = vector.shape_cast %get3A_140 : vector<1x16xf32> to vector<16xf32>
        %swap3A_142 = arith.constant 0 : i32
        %swap3A_143 = arith.index_cast %add3A_105 : i32 to index
        %swap3A_144 = arith.index_cast %swap3A_142 : i32 to index
        %swap3A_145 = arith.constant 32 : index
        %swap3A_146 = tpu.vector_load %arg9[%swap3A_143, %swap3A_144, %swap3A_145] {strides = array<i32>} : memref<25x8x64xf32, #tpu.memory_space<vmem>>, vector<1x1x16xf32>,
        %swap3A_147 = vector.shape_cast %swap3A_146 : vector<1x1x16xf32> to vector<16xf32>
        %swap3A_148 = vector.shape_cast %get3A_141 : vector<16xf32> to vector<1x1x16xf32>
        tpu.vector_store %arg9[%swap3A_143, %swap3A_144, %swap3A_145], %swap3A_148 {strides = array<i32>} : memref<25x8x64xf32, #tpu.memory_space<vmem>>, vector<1x1x16xf32>,
        %mul3A_149 = arith.constant 8 : i32
        %mul3A_150 = arith.muli %add3A_105, %mul3A_149 : i32
        %add3A_151 = arith.constant 0 : i32
        %add3A_152 = arith.addi %mul3A_150, %add3A_151 : i32
        %get3A_153 = arith.index_cast %add3A_152 : i32 to index
        %get3A_154 = arith.constant 48 : index
        %get3A_155 = tpu.vector_load %arg7[%get3A_153, %get3A_154] {strides = array<i32>} : memref<200x128xf32, #tpu.memory_space<vmem>>, vector<1x16xf32>,
        %get3A_156 = vector.shape_cast %get3A_155 : vector<1x16xf32> to vector<16xf32>
        %swap3A_157 = arith.constant 0 : i32
        %swap3A_158 = arith.index_cast %add3A_105 : i32 to index
        %swap3A_159 = arith.index_cast %swap3A_157 : i32 to index
        %swap3A_160 = arith.constant 48 : index
        %swap3A_161 = tpu.vector_load %arg9[%swap3A_158, %swap3A_159, %swap3A_160] {strides = array<i32>} : memref<25x8x64xf32, #tpu.memory_space<vmem>>, vector<1x1x16xf32>,
        %swap3A_162 = vector.shape_cast %swap3A_161 : vector<1x1x16xf32> to vector<16xf32>
        %swap3A_163 = vector.shape_cast %get3A_156 : vector<16xf32> to vector<1x1x16xf32>
        tpu.vector_store %arg9[%swap3A_158, %swap3A_159, %swap3A_160], %swap3A_163 {strides = array<i32>} : memref<25x8x64xf32, #tpu.memory_space<vmem>>, vector<1x1x16xf32>,
        %mul3A_164 = arith.constant 8 : i32
        %mul3A_165 = arith.muli %add3A_105, %mul3A_164 : i32
        %add3A_166 = arith.constant 1 : i32
        %add3A_167 = arith.addi %mul3A_165, %add3A_166 : i32
        %get3A_168 = arith.index_cast %add3A_167 : i32 to index
        %get3A_169 = arith.constant 0 : index
        %get3A_170 = tpu.vector_load %arg7[%get3A_168, %get3A_169] {strides = array<i32>} : memref<200x128xf32, #tpu.memory_space<vmem>>, vector<1x16xf32>,
        %get3A_171 = vector.shape_cast %get3A_170 : vector<1x16xf32> to vector<16xf32>
        %swap3A_172 = arith.constant 1 : i32
        %swap3A_173 = arith.index_cast %add3A_105 : i32 to index
        %swap3A_174 = arith.index_cast %swap3A_172 : i32 to index
        %swap3A_175 = arith.constant 0 : index
        %swap3A_176 = tpu.vector_load %arg9[%swap3A_173, %swap3A_174, %swap3A_175] {strides = array<i32>} : memref<25x8x64xf32, #tpu.memory_space<vmem>>, vector<1x1x16xf32>,
        %swap3A_177 = vector.shape_cast %swap3A_176 : vector<1x1x16xf32> to vector<16xf32>
        %swap3A_178 = vector.shape_cast %get3A_171 : vector<16xf32> to vector<1x1x16xf32>
        tpu.vector_store %arg9[%swap3A_173, %swap3A_174, %swap3A_175], %swap3A_178 {strides = array<i32>} : memref<25x8x64xf32, #tpu.memory_space<vmem>>, vector<1x1x16xf32>,
        %mul3A_179 = arith.constant 8 : i32
        %mul3A_180 = arith.muli %add3A_105, %mul3A_179 : i32
        %add3A_181 = arith.constant 1 : i32
        %add3A_182 = arith.addi %mul3A_180, %add3A_181 : i32
        %get3A_183 = arith.index_cast %add3A_182 : i32 to index
        %get3A_184 = arith.constant 16 : index
        %get3A_185 = tpu.vector_load %arg7[%get3A_183, %get3A_184] {strides = array<i32>} : memref<200x128xf32, #tpu.memory_space<vmem>>, vector<1x16xf32>,
        %get3A_186 = vector.shape_cast %get3A_185 : vector<1x16xf32> to vector<16xf32>
        %swap3A_187 = arith.constant 1 : i32
        %swap3A_188 = arith.index_cast %add3A_105 : i32 to index
        %swap3A_189 = arith.index_cast %swap3A_187 : i32 to index
        %swap3A_190 = arith.constant 16 : index
        %swap3A_191 = tpu.vector_load %arg9[%swap3A_188, %swap3A_189, %swap3A_190] {strides = array<i32>} : memref<25x8x64xf32, #tpu.memory_space<vmem>>, vector<1x1x16xf32>,
        %swap3A_192 = vector.shape_cast %swap3A_191 : vector<1x1x16xf32> to vector<16xf32>
        %swap3A_193 = vector.shape_cast %get3A_186 : vector<16xf32> to vector<1x1x16xf32>
        tpu.vector_store %arg9[%swap3A_188, %swap3A_189, %swap3A_190], %swap3A_193 {strides = array<i32>} : memref<25x8x64xf32, #tpu.memory_space<vmem>>, vector<1x1x16xf32>,
        %mul3A_194 = arith.constant 8 : i32
        %mul3A_195 = arith.muli %add3A_105, %mul3A_194 : i32
        %add3A_196 = arith.constant 1 : i32
        %add3A_197 = arith.addi %mul3A_195, %add3A_196 : i32
        %get3A_198 = arith.index_cast %add3A_197 : i32 to index
        %get3A_199 = arith.constant 32 : index
        %get3A_200 = tpu.vector_load %arg7[%get3A_198, %get3A_199] {strides = array<i32>} : memref<200x128xf32, #tpu.memory_space<vmem>>, vector<1x16xf32>,
        %get3A_201 = vector.shape_cast %get3A_200 : vector<1x16xf32> to vector<16xf32>
        %swap3A_202 = arith.constant 1 : i32
        %swap3A_203 = arith.index_cast %add3A_105 : i32 to index
        %swap3A_204 = arith.index_cast %swap3A_202 : i32 to index
        %swap3A_205 = arith.constant 32 : index
        %swap3A_206 = tpu.vector_load %arg9[%swap3A_203, %swap3A_204, %swap3A_205] {strides = array<i32>} : memref<25x8x64xf32, #tpu.memory_space<vmem>>, vector<1x1x16xf32>,
        %swap3A_207 = vector.shape_cast %swap3A_206 : vector<1x1x16xf32> to vector<16xf32>
        %swap3A_208 = vector.shape_cast %get3A_201 : vector<16xf32> to vector<1x1x16xf32>
        tpu.vector_store %arg9[%swap3A_203, %swap3A_204, %swap3A_205], %swap3A_208 {strides = array<i32>} : memref<25x8x64xf32, #tpu.memory_space<vmem>>, vector<1x1x16xf32>,
        %mul3A_209 = arith.constant 8 : i32
        %mul3A_210 = arith.muli %add3A_105, %mul3A_209 : i32
        %add3A_211 = arith.constant 1 : i32
        %add3A_212 = arith.addi %mul3A_210, %add3A_211 : i32
        %get3A_213 = arith.index_cast %add3A_212 : i32 to index
        %get3A_214 = arith.constant 48 : index
        %get3A_215 = tpu.vector_load %arg7[%get3A_213, %get3A_214] {strides = array<i32>} : memref<200x128xf32, #tpu.memory_space<vmem>>, vector<1x16xf32>,
        %get3A_216 = vector.shape_cast %get3A_215 : vector<1x16xf32> to vector<16xf32>
        %swap3A_217 = arith.constant 1 : i32
        %swap3A_218 = arith.index_cast %add3A_105 : i32 to index
        %swap3A_219 = arith.index_cast %swap3A_217 : i32 to index
        %swap3A_220 = arith.constant 48 : index
        %swap3A_221 = tpu.vector_load %arg9[%swap3A_218, %swap3A_219, %swap3A_220] {strides = array<i32>} : memref<25x8x64xf32, #tpu.memory_space<vmem>>, vector<1x1x16xf32>,
        %swap3A_222 = vector.shape_cast %swap3A_221 : vector<1x1x16xf32> to vector<16xf32>
        %swap3A_223 = vector.shape_cast %get3A_216 : vector<16xf32> to vector<1x1x16xf32>
        tpu.vector_store %arg9[%swap3A_218, %swap3A_219, %swap3A_220], %swap3A_223 {strides = array<i32>} : memref<25x8x64xf32, #tpu.memory_space<vmem>>, vector<1x1x16xf32>,
        %mul3A_224 = arith.constant 8 : i32
        %mul3A_225 = arith.muli %add3A_105, %mul3A_224 : i32
        %add3A_226 = arith.constant 2 : i32
        %add3A_227 = arith.addi %mul3A_225, %add3A_226 : i32
        %get3A_228 = arith.index_cast %add3A_227 : i32 to index
        %get3A_229 = arith.constant 0 : index
        %get3A_230 = tpu.vector_load %arg7[%get3A_228, %get3A_229] {strides = array<i32>} : memref<200x128xf32, #tpu.memory_space<vmem>>, vector<1x16xf32>,
        %get3A_231 = vector.shape_cast %get3A_230 : vector<1x16xf32> to vector<16xf32>
        %swap3A_232 = arith.constant 2 : i32
        %swap3A_233 = arith.index_cast %add3A_105 : i32 to index
        %swap3A_234 = arith.index_cast %swap3A_232 : i32 to index
        %swap3A_235 = arith.constant 0 : index
        %swap3A_236 = tpu.vector_load %arg9[%swap3A_233, %swap3A_234, %swap3A_235] {strides = array<i32>} : memref<25x8x64xf32, #tpu.memory_space<vmem>>, vector<1x1x16xf32>,
        %swap3A_237 = vector.shape_cast %swap3A_236 : vector<1x1x16xf32> to vector<16xf32>
        %swap3A_238 = vector.shape_cast %get3A_231 : vector<16xf32> to vector<1x1x16xf32>
        tpu.vector_store %arg9[%swap3A_233, %swap3A_234, %swap3A_235], %swap3A_238 {strides = array<i32>} : memref<25x8x64xf32, #tpu.memory_space<vmem>>, vector<1x1x16xf32>,
        %mul3A_239 = arith.constant 8 : i32
        %mul3A_240 = arith.muli %add3A_105, %mul3A_239 : i32
        %add3A_241 = arith.constant 2 : i32
        %add3A_242 = arith.addi %mul3A_240, %add3A_241 : i32
        %get3A_243 = arith.index_cast %add3A_242 : i32 to index
        %get3A_244 = arith.constant 16 : index
        %get3A_245 = tpu.vector_load %arg7[%get3A_243, %get3A_244] {strides = array<i32>} : memref<200x128xf32, #tpu.memory_space<vmem>>, vector<1x16xf32>,
        %get3A_246 = vector.shape_cast %get3A_245 : vector<1x16xf32> to vector<16xf32>
        %swap3A_247 = arith.constant 2 : i32
        %swap3A_248 = arith.index_cast %add3A_105 : i32 to index
        %swap3A_249 = arith.index_cast %swap3A_247 : i32 to index
        %swap3A_250 = arith.constant 16 : index
        %swap3A_251 = tpu.vector_load %arg9[%swap3A_248, %swap3A_249, %swap3A_250] {strides = array<i32>} : memref<25x8x64xf32, #tpu.memory_space<vmem>>, vector<1x1x16xf32>,
        %swap3A_252 = vector.shape_cast %swap3A_251 : vector<1x1x16xf32> to vector<16xf32>
        %swap3A_253 = vector.shape_cast %get3A_246 : vector<16xf32> to vector<1x1x16xf32>
        tpu.vector_store %arg9[%swap3A_248, %swap3A_249, %swap3A_250], %swap3A_253 {strides = array<i32>} : memref<25x8x64xf32, #tpu.memory_space<vmem>>, vector<1x1x16xf32>,
        %mul3A_254 = arith.constant 8 : i32
        %mul3A_255 = arith.muli %add3A_105, %mul3A_254 : i32
        %add3A_256 = arith.constant 2 : i32
        %add3A_257 = arith.addi %mul3A_255, %add3A_256 : i32
        %get3A_258 = arith.index_cast %add3A_257 : i32 to index
        %get3A_259 = arith.constant 32 : index
        %get3A_260 = tpu.vector_load %arg7[%get3A_258, %get3A_259] {strides = array<i32>} : memref<200x128xf32, #tpu.memory_space<vmem>>, vector<1x16xf32>,
        %get3A_261 = vector.shape_cast %get3A_260 : vector<1x16xf32> to vector<16xf32>
        %swap3A_262 = arith.constant 2 : i32
        %swap3A_263 = arith.index_cast %add3A_105 : i32 to index
        %swap3A_264 = arith.index_cast %swap3A_262 : i32 to index
        %swap3A_265 = arith.constant 32 : index
        %swap3A_266 = tpu.vector_load %arg9[%swap3A_263, %swap3A_264, %swap3A_265] {strides = array<i32>} : memref<25x8x64xf32, #tpu.memory_space<vmem>>, vector<1x1x16xf32>,
        %swap3A_267 = vector.shape_cast %swap3A_266 : vector<1x1x16xf32> to vector<16xf32>
        %swap3A_268 = vector.shape_cast %get3A_261 : vector<16xf32> to vector<1x1x16xf32>
        tpu.vector_store %arg9[%swap3A_263, %swap3A_264, %swap3A_265], %swap3A_268 {strides = array<i32>} : memref<25x8x64xf32, #tpu.memory_space<vmem>>, vector<1x1x16xf32>,
        %mul3A_269 = arith.constant 8 : i32
        %mul3A_270 = arith.muli %add3A_105, %mul3A_269 : i32
        %add3A_271 = arith.constant 2 : i32
        %add3A_272 = arith.addi %mul3A_270, %add3A_271 : i32
        %get3A_273 = arith.index_cast %add3A_272 : i32 to index
        %get3A_274 = arith.constant 48 : index
        %get3A_275 = tpu.vector_load %arg7[%get3A_273, %get3A_274] {strides = array<i32>} : memref<200x128xf32, #tpu.memory_space<vmem>>, vector<1x16xf32>,
        %get3A_276 = vector.shape_cast %get3A_275 : vector<1x16xf32> to vector<16xf32>
        %swap3A_277 = arith.constant 2 : i32
        %swap3A_278 = arith.index_cast %add3A_105 : i32 to index
        %swap3A_279 = arith.index_cast %swap3A_277 : i32 to index
        %swap3A_280 = arith.constant 48 : index
        %swap3A_281 = tpu.vector_load %arg9[%swap3A_278, %swap3A_279, %swap3A_280] {strides = array<i32>} : memref<25x8x64xf32, #tpu.memory_space<vmem>>, vector<1x1x16xf32>,
        %swap3A_282 = vector.shape_cast %swap3A_281 : vector<1x1x16xf32> to vector<16xf32>
        %swap3A_283 = vector.shape_cast %get3A_276 : vector<16xf32> to vector<1x1x16xf32>
        tpu.vector_store %arg9[%swap3A_278, %swap3A_279, %swap3A_280], %swap3A_283 {strides = array<i32>} : memref<25x8x64xf32, #tpu.memory_space<vmem>>, vector<1x1x16xf32>,
        %mul3A_284 = arith.constant 8 : i32
        %mul3A_285 = arith.muli %add3A_105, %mul3A_284 : i32
        %add3A_286 = arith.constant 3 : i32
        %add3A_287 = arith.addi %mul3A_285, %add3A_286 : i32
        %get3A_288 = arith.index_cast %add3A_287 : i32 to index
        %get3A_289 = arith.constant 0 : index
        %get3A_290 = tpu.vector_load %arg7[%get3A_288, %get3A_289] {strides = array<i32>} : memref<200x128xf32, #tpu.memory_space<vmem>>, vector<1x16xf32>,
        %get3A_291 = vector.shape_cast %get3A_290 : vector<1x16xf32> to vector<16xf32>
        %swap3A_292 = arith.constant 3 : i32
        %swap3A_293 = arith.index_cast %add3A_105 : i32 to index
        %swap3A_294 = arith.index_cast %swap3A_292 : i32 to index
        %swap3A_295 = arith.constant 0 : index
        %swap3A_296 = tpu.vector_load %arg9[%swap3A_293, %swap3A_294, %swap3A_295] {strides = array<i32>} : memref<25x8x64xf32, #tpu.memory_space<vmem>>, vector<1x1x16xf32>,
        %swap3A_297 = vector.shape_cast %swap3A_296 : vector<1x1x16xf32> to vector<16xf32>
        %swap3A_298 = vector.shape_cast %get3A_291 : vector<16xf32> to vector<1x1x16xf32>
        tpu.vector_store %arg9[%swap3A_293, %swap3A_294, %swap3A_295], %swap3A_298 {strides = array<i32>} : memref<25x8x64xf32, #tpu.memory_space<vmem>>, vector<1x1x16xf32>,
        %mul3A_299 = arith.constant 8 : i32
        %mul3A_300 = arith.muli %add3A_105, %mul3A_299 : i32
        %add3A_301 = arith.constant 3 : i32
        %add3A_302 = arith.addi %mul3A_300, %add3A_301 : i32
        %get3A_303 = arith.index_cast %add3A_302 : i32 to index
        %get3A_304 = arith.constant 16 : index
        %get3A_305 = tpu.vector_load %arg7[%get3A_303, %get3A_304] {strides = array<i32>} : memref<200x128xf32, #tpu.memory_space<vmem>>, vector<1x16xf32>,
        %get3A_306 = vector.shape_cast %get3A_305 : vector<1x16xf32> to vector<16xf32>
        %swap3A_307 = arith.constant 3 : i32
        %swap3A_308 = arith.index_cast %add3A_105 : i32 to index
        %swap3A_309 = arith.index_cast %swap3A_307 : i32 to index
        %swap3A_310 = arith.constant 16 : index
        %swap3A_311 = tpu.vector_load %arg9[%swap3A_308, %swap3A_309, %swap3A_310] {strides = array<i32>} : memref<25x8x64xf32, #tpu.memory_space<vmem>>, vector<1x1x16xf32>,
        %swap3A_312 = vector.shape_cast %swap3A_311 : vector<1x1x16xf32> to vector<16xf32>
        %swap3A_313 = vector.shape_cast %get3A_306 : vector<16xf32> to vector<1x1x16xf32>
        tpu.vector_store %arg9[%swap3A_308, %swap3A_309, %swap3A_310], %swap3A_313 {strides = array<i32>} : memref<25x8x64xf32, #tpu.memory_space<vmem>>, vector<1x1x16xf32>,
        %mul3A_314 = arith.constant 8 : i32
        %mul3A_315 = arith.muli %add3A_105, %mul3A_314 : i32
        %add3A_316 = arith.constant 3 : i32
        %add3A_317 = arith.addi %mul3A_315, %add3A_316 : i32
        %get3A_318 = arith.index_cast %add3A_317 : i32 to index
        %get3A_319 = arith.constant 32 : index
        %get3A_320 = tpu.vector_load %arg7[%get3A_318, %get3A_319] {strides = array<i32>} : memref<200x128xf32, #tpu.memory_space<vmem>>, vector<1x16xf32>,
        %get3A_321 = vector.shape_cast %get3A_320 : vector<1x16xf32> to vector<16xf32>
        %swap3A_322 = arith.constant 3 : i32
        %swap3A_323 = arith.index_cast %add3A_105 : i32 to index
        %swap3A_324 = arith.index_cast %swap3A_322 : i32 to index
        %swap3A_325 = arith.constant 32 : index
        %swap3A_326 = tpu.vector_load %arg9[%swap3A_323, %swap3A_324, %swap3A_325] {strides = array<i32>} : memref<25x8x64xf32, #tpu.memory_space<vmem>>, vector<1x1x16xf32>,
        %swap3A_327 = vector.shape_cast %swap3A_326 : vector<1x1x16xf32> to vector<16xf32>
        %swap3A_328 = vector.shape_cast %get3A_321 : vector<16xf32> to vector<1x1x16xf32>
        tpu.vector_store %arg9[%swap3A_323, %swap3A_324, %swap3A_325], %swap3A_328 {strides = array<i32>} : memref<25x8x64xf32, #tpu.memory_space<vmem>>, vector<1x1x16xf32>,
        %mul3A_329 = arith.constant 8 : i32
        %mul3A_330 = arith.muli %add3A_105, %mul3A_329 : i32
        %add3A_331 = arith.constant 3 : i32
        %add3A_332 = arith.addi %mul3A_330, %add3A_331 : i32
        %get3A_333 = arith.index_cast %add3A_332 : i32 to index
        %get3A_334 = arith.constant 48 : index
        %get3A_335 = tpu.vector_load %arg7[%get3A_333, %get3A_334] {strides = array<i32>} : memref<200x128xf32, #tpu.memory_space<vmem>>, vector<1x16xf32>,
        %get3A_336 = vector.shape_cast %get3A_335 : vector<1x16xf32> to vector<16xf32>
        %swap3A_337 = arith.constant 3 : i32
        %swap3A_338 = arith.index_cast %add3A_105 : i32 to index
        %swap3A_339 = arith.index_cast %swap3A_337 : i32 to index
        %swap3A_340 = arith.constant 48 : index
        %swap3A_341 = tpu.vector_load %arg9[%swap3A_338, %swap3A_339, %swap3A_340] {strides = array<i32>} : memref<25x8x64xf32, #tpu.memory_space<vmem>>, vector<1x1x16xf32>,
        %swap3A_342 = vector.shape_cast %swap3A_341 : vector<1x1x16xf32> to vector<16xf32>
        %swap3A_343 = vector.shape_cast %get3A_336 : vector<16xf32> to vector<1x1x16xf32>
        tpu.vector_store %arg9[%swap3A_338, %swap3A_339, %swap3A_340], %swap3A_343 {strides = array<i32>} : memref<25x8x64xf32, #tpu.memory_space<vmem>>, vector<1x1x16xf32>,
        %mul3A_344 = arith.constant 8 : i32
        %mul3A_345 = arith.muli %add3A_105, %mul3A_344 : i32
        %add3A_346 = arith.constant 4 : i32
        %add3A_347 = arith.addi %mul3A_345, %add3A_346 : i32
        %get3A_348 = arith.index_cast %add3A_347 : i32 to index
        %get3A_349 = arith.constant 0 : index
        %get3A_350 = tpu.vector_load %arg7[%get3A_348, %get3A_349] {strides = array<i32>} : memref<200x128xf32, #tpu.memory_space<vmem>>, vector<1x16xf32>,
        %get3A_351 = vector.shape_cast %get3A_350 : vector<1x16xf32> to vector<16xf32>
        %swap3A_352 = arith.constant 4 : i32
        %swap3A_353 = arith.index_cast %add3A_105 : i32 to index
        %swap3A_354 = arith.index_cast %swap3A_352 : i32 to index
        %swap3A_355 = arith.constant 0 : index
        %swap3A_356 = tpu.vector_load %arg9[%swap3A_353, %swap3A_354, %swap3A_355] {strides = array<i32>} : memref<25x8x64xf32, #tpu.memory_space<vmem>>, vector<1x1x16xf32>,
        %swap3A_357 = vector.shape_cast %swap3A_356 : vector<1x1x16xf32> to vector<16xf32>
        %swap3A_358 = vector.shape_cast %get3A_351 : vector<16xf32> to vector<1x1x16xf32>
        tpu.vector_store %arg9[%swap3A_353, %swap3A_354, %swap3A_355], %swap3A_358 {strides = array<i32>} : memref<25x8x64xf32, #tpu.memory_space<vmem>>, vector<1x1x16xf32>,
        %mul3A_359 = arith.constant 8 : i32
        %mul3A_360 = arith.muli %add3A_105, %mul3A_359 : i32
        %add3A_361 = arith.constant 4 : i32
        %add3A_362 = arith.addi %mul3A_360, %add3A_361 : i32
        %get3A_363 = arith.index_cast %add3A_362 : i32 to index
        %get3A_364 = arith.constant 16 : index
        %get3A_365 = tpu.vector_load %arg7[%get3A_363, %get3A_364] {strides = array<i32>} : memref<200x128xf32, #tpu.memory_space<vmem>>, vector<1x16xf32>,
        %get3A_366 = vector.shape_cast %get3A_365 : vector<1x16xf32> to vector<16xf32>
        %swap3A_367 = arith.constant 4 : i32
        %swap3A_368 = arith.index_cast %add3A_105 : i32 to index
        %swap3A_369 = arith.index_cast %swap3A_367 : i32 to index
        %swap3A_370 = arith.constant 16 : index
        %swap3A_371 = tpu.vector_load %arg9[%swap3A_368, %swap3A_369, %swap3A_370] {strides = array<i32>} : memref<25x8x64xf32, #tpu.memory_space<vmem>>, vector<1x1x16xf32>,
        %swap3A_372 = vector.shape_cast %swap3A_371 : vector<1x1x16xf32> to vector<16xf32>
        %swap3A_373 = vector.shape_cast %get3A_366 : vector<16xf32> to vector<1x1x16xf32>
        tpu.vector_store %arg9[%swap3A_368, %swap3A_369, %swap3A_370], %swap3A_373 {strides = array<i32>} : memref<25x8x64xf32, #tpu.memory_space<vmem>>, vector<1x1x16xf32>,
        %mul3A_374 = arith.constant 8 : i32
        %mul3A_375 = arith.muli %add3A_105, %mul3A_374 : i32
        %add3A_376 = arith.constant 4 : i32
        %add3A_377 = arith.addi %mul3A_375, %add3A_376 : i32
        %get3A_378 = arith.index_cast %add3A_377 : i32 to index
        %get3A_379 = arith.constant 32 : index
        %get3A_380 = tpu.vector_load %arg7[%get3A_378, %get3A_379] {strides = array<i32>} : memref<200x128xf32, #tpu.memory_space<vmem>>, vector<1x16xf32>,
        %get3A_381 = vector.shape_cast %get3A_380 : vector<1x16xf32> to vector<16xf32>
        %swap3A_382 = arith.constant 4 : i32
        %swap3A_383 = arith.index_cast %add3A_105 : i32 to index
        %swap3A_384 = arith.index_cast %swap3A_382 : i32 to index
        %swap3A_385 = arith.constant 32 : index
        %swap3A_386 = tpu.vector_load %arg9[%swap3A_383, %swap3A_384, %swap3A_385] {strides = array<i32>} : memref<25x8x64xf32, #tpu.memory_space<vmem>>, vector<1x1x16xf32>,
        %swap3A_387 = vector.shape_cast %swap3A_386 : vector<1x1x16xf32> to vector<16xf32>
        %swap3A_388 = vector.shape_cast %get3A_381 : vector<16xf32> to vector<1x1x16xf32>
        tpu.vector_store %arg9[%swap3A_383, %swap3A_384, %swap3A_385], %swap3A_388 {strides = array<i32>} : memref<25x8x64xf32, #tpu.memory_space<vmem>>, vector<1x1x16xf32>,
        %mul3A_389 = arith.constant 8 : i32
        %mul3A_390 = arith.muli %add3A_105, %mul3A_389 : i32
        %add3A_391 = arith.constant 4 : i32
        %add3A_392 = arith.addi %mul3A_390, %add3A_391 : i32
        %get3A_393 = arith.index_cast %add3A_392 : i32 to index
        %get3A_394 = arith.constant 48 : index
        %get3A_395 = tpu.vector_load %arg7[%get3A_393, %get3A_394] {strides = array<i32>} : memref<200x128xf32, #tpu.memory_space<vmem>>, vector<1x16xf32>,
        %get3A_396 = vector.shape_cast %get3A_395 : vector<1x16xf32> to vector<16xf32>
        %swap3A_397 = arith.constant 4 : i32
        %swap3A_398 = arith.index_cast %add3A_105 : i32 to index
        %swap3A_399 = arith.index_cast %swap3A_397 : i32 to index
        %swap3A_400 = arith.constant 48 : index
        %swap3A_401 = tpu.vector_load %arg9[%swap3A_398, %swap3A_399, %swap3A_400] {strides = array<i32>} : memref<25x8x64xf32, #tpu.memory_space<vmem>>, vector<1x1x16xf32>,
        %swap3A_402 = vector.shape_cast %swap3A_401 : vector<1x1x16xf32> to vector<16xf32>
        %swap3A_403 = vector.shape_cast %get3A_396 : vector<16xf32> to vector<1x1x16xf32>
        tpu.vector_store %arg9[%swap3A_398, %swap3A_399, %swap3A_400], %swap3A_403 {strides = array<i32>} : memref<25x8x64xf32, #tpu.memory_space<vmem>>, vector<1x1x16xf32>,
        %mul3A_404 = arith.constant 8 : i32
        %mul3A_405 = arith.muli %add3A_105, %mul3A_404 : i32
        %add3A_406 = arith.constant 5 : i32
        %add3A_407 = arith.addi %mul3A_405, %add3A_406 : i32
        %get3A_408 = arith.index_cast %add3A_407 : i32 to index
        %get3A_409 = arith.constant 0 : index
        %get3A_410 = tpu.vector_load %arg7[%get3A_408, %get3A_409] {strides = array<i32>} : memref<200x128xf32, #tpu.memory_space<vmem>>, vector<1x16xf32>,
        %get3A_411 = vector.shape_cast %get3A_410 : vector<1x16xf32> to vector<16xf32>
        %swap3A_412 = arith.constant 5 : i32
        %swap3A_413 = arith.index_cast %add3A_105 : i32 to index
        %swap3A_414 = arith.index_cast %swap3A_412 : i32 to index
        %swap3A_415 = arith.constant 0 : index
        %swap3A_416 = tpu.vector_load %arg9[%swap3A_413, %swap3A_414, %swap3A_415] {strides = array<i32>} : memref<25x8x64xf32, #tpu.memory_space<vmem>>, vector<1x1x16xf32>,
        %swap3A_417 = vector.shape_cast %swap3A_416 : vector<1x1x16xf32> to vector<16xf32>
        %swap3A_418 = vector.shape_cast %get3A_411 : vector<16xf32> to vector<1x1x16xf32>
        tpu.vector_store %arg9[%swap3A_413, %swap3A_414, %swap3A_415], %swap3A_418 {strides = array<i32>} : memref<25x8x64xf32, #tpu.memory_space<vmem>>, vector<1x1x16xf32>,
        %mul3A_419 = arith.constant 8 : i32
        %mul3A_420 = arith.muli %add3A_105, %mul3A_419 : i32
        %add3A_421 = arith.constant 5 : i32
        %add3A_422 = arith.addi %mul3A_420, %add3A_421 : i32
        %get3A_423 = arith.index_cast %add3A_422 : i32 to index
        %get3A_424 = arith.constant 16 : index
        %get3A_425 = tpu.vector_load %arg7[%get3A_423, %get3A_424] {strides = array<i32>} : memref<200x128xf32, #tpu.memory_space<vmem>>, vector<1x16xf32>,
        %get3A_426 = vector.shape_cast %get3A_425 : vector<1x16xf32> to vector<16xf32>
        %swap3A_427 = arith.constant 5 : i32
        %swap3A_428 = arith.index_cast %add3A_105 : i32 to index
        %swap3A_429 = arith.index_cast %swap3A_427 : i32 to index
        %swap3A_430 = arith.constant 16 : index
        %swap3A_431 = tpu.vector_load %arg9[%swap3A_428, %swap3A_429, %swap3A_430] {strides = array<i32>} : memref<25x8x64xf32, #tpu.memory_space<vmem>>, vector<1x1x16xf32>,
        %swap3A_432 = vector.shape_cast %swap3A_431 : vector<1x1x16xf32> to vector<16xf32>
        %swap3A_433 = vector.shape_cast %get3A_426 : vector<16xf32> to vector<1x1x16xf32>
        tpu.vector_store %arg9[%swap3A_428, %swap3A_429, %swap3A_430], %swap3A_433 {strides = array<i32>} : memref<25x8x64xf32, #tpu.memory_space<vmem>>, vector<1x1x16xf32>,
        %mul3A_434 = arith.constant 8 : i32
        %mul3A_435 = arith.muli %add3A_105, %mul3A_434 : i32
        %add3A_436 = arith.constant 5 : i32
        %add3A_437 = arith.addi %mul3A_435, %add3A_436 : i32
        %get3A_438 = arith.index_cast %add3A_437 : i32 to index
        %get3A_439 = arith.constant 32 : index
        %get3A_440 = tpu.vector_load %arg7[%get3A_438, %get3A_439] {strides = array<i32>} : memref<200x128xf32, #tpu.memory_space<vmem>>, vector<1x16xf32>,
        %get3A_441 = vector.shape_cast %get3A_440 : vector<1x16xf32> to vector<16xf32>
        %swap3A_442 = arith.constant 5 : i32
        %swap3A_443 = arith.index_cast %add3A_105 : i32 to index
        %swap3A_444 = arith.index_cast %swap3A_442 : i32 to index
        %swap3A_445 = arith.constant 32 : index
        %swap3A_446 = tpu.vector_load %arg9[%swap3A_443, %swap3A_444, %swap3A_445] {strides = array<i32>} : memref<25x8x64xf32, #tpu.memory_space<vmem>>, vector<1x1x16xf32>,
        %swap3A_447 = vector.shape_cast %swap3A_446 : vector<1x1x16xf32> to vector<16xf32>
        %swap3A_448 = vector.shape_cast %get3A_441 : vector<16xf32> to vector<1x1x16xf32>
        tpu.vector_store %arg9[%swap3A_443, %swap3A_444, %swap3A_445], %swap3A_448 {strides = array<i32>} : memref<25x8x64xf32, #tpu.memory_space<vmem>>, vector<1x1x16xf32>,
        %mul3A_449 = arith.constant 8 : i32
        %mul3A_450 = arith.muli %add3A_105, %mul3A_449 : i32
        %add3A_451 = arith.constant 5 : i32
        %add3A_452 = arith.addi %mul3A_450, %add3A_451 : i32
        %get3A_453 = arith.index_cast %add3A_452 : i32 to index
        %get3A_454 = arith.constant 48 : index
        %get3A_455 = tpu.vector_load %arg7[%get3A_453, %get3A_454] {strides = array<i32>} : memref<200x128xf32, #tpu.memory_space<vmem>>, vector<1x16xf32>,
        %get3A_456 = vector.shape_cast %get3A_455 : vector<1x16xf32> to vector<16xf32>
        %swap3A_457 = arith.constant 5 : i32
        %swap3A_458 = arith.index_cast %add3A_105 : i32 to index
        %swap3A_459 = arith.index_cast %swap3A_457 : i32 to index
        %swap3A_460 = arith.constant 48 : index
        %swap3A_461 = tpu.vector_load %arg9[%swap3A_458, %swap3A_459, %swap3A_460] {strides = array<i32>} : memref<25x8x64xf32, #tpu.memory_space<vmem>>, vector<1x1x16xf32>,
        %swap3A_462 = vector.shape_cast %swap3A_461 : vector<1x1x16xf32> to vector<16xf32>
        %swap3A_463 = vector.shape_cast %get3A_456 : vector<16xf32> to vector<1x1x16xf32>
        tpu.vector_store %arg9[%swap3A_458, %swap3A_459, %swap3A_460], %swap3A_463 {strides = array<i32>} : memref<25x8x64xf32, #tpu.memory_space<vmem>>, vector<1x1x16xf32>,
        %mul3A_464 = arith.constant 8 : i32
        %mul3A_465 = arith.muli %add3A_105, %mul3A_464 : i32
        %add3A_466 = arith.constant 6 : i32
        %add3A_467 = arith.addi %mul3A_465, %add3A_466 : i32
        %get3A_468 = arith.index_cast %add3A_467 : i32 to index
        %get3A_469 = arith.constant 0 : index
        %get3A_470 = tpu.vector_load %arg7[%get3A_468, %get3A_469] {strides = array<i32>} : memref<200x128xf32, #tpu.memory_space<vmem>>, vector<1x16xf32>,
        %get3A_471 = vector.shape_cast %get3A_470 : vector<1x16xf32> to vector<16xf32>
        %swap3A_472 = arith.constant 6 : i32
        %swap3A_473 = arith.index_cast %add3A_105 : i32 to index
        %swap3A_474 = arith.index_cast %swap3A_472 : i32 to index
        %swap3A_475 = arith.constant 0 : index
        %swap3A_476 = tpu.vector_load %arg9[%swap3A_473, %swap3A_474, %swap3A_475] {strides = array<i32>} : memref<25x8x64xf32, #tpu.memory_space<vmem>>, vector<1x1x16xf32>,
        %swap3A_477 = vector.shape_cast %swap3A_476 : vector<1x1x16xf32> to vector<16xf32>
        %swap3A_478 = vector.shape_cast %get3A_471 : vector<16xf32> to vector<1x1x16xf32>
        tpu.vector_store %arg9[%swap3A_473, %swap3A_474, %swap3A_475], %swap3A_478 {strides = array<i32>} : memref<25x8x64xf32, #tpu.memory_space<vmem>>, vector<1x1x16xf32>,
        %mul3A_479 = arith.constant 8 : i32
        %mul3A_480 = arith.muli %add3A_105, %mul3A_479 : i32
        %add3A_481 = arith.constant 6 : i32
        %add3A_482 = arith.addi %mul3A_480, %add3A_481 : i32
        %get3A_483 = arith.index_cast %add3A_482 : i32 to index
        %get3A_484 = arith.constant 16 : index
        %get3A_485 = tpu.vector_load %arg7[%get3A_483, %get3A_484] {strides = array<i32>} : memref<200x128xf32, #tpu.memory_space<vmem>>, vector<1x16xf32>,
        %get3A_486 = vector.shape_cast %get3A_485 : vector<1x16xf32> to vector<16xf32>
        %swap3A_487 = arith.constant 6 : i32
        %swap3A_488 = arith.index_cast %add3A_105 : i32 to index
        %swap3A_489 = arith.index_cast %swap3A_487 : i32 to index
        %swap3A_490 = arith.constant 16 : index
        %swap3A_491 = tpu.vector_load %arg9[%swap3A_488, %swap3A_489, %swap3A_490] {strides = array<i32>} : memref<25x8x64xf32, #tpu.memory_space<vmem>>, vector<1x1x16xf32>,
        %swap3A_492 = vector.shape_cast %swap3A_491 : vector<1x1x16xf32> to vector<16xf32>
        %swap3A_493 = vector.shape_cast %get3A_486 : vector<16xf32> to vector<1x1x16xf32>
        tpu.vector_store %arg9[%swap3A_488, %swap3A_489, %swap3A_490], %swap3A_493 {strides = array<i32>} : memref<25x8x64xf32, #tpu.memory_space<vmem>>, vector<1x1x16xf32>,
        %mul3A_494 = arith.constant 8 : i32
        %mul3A_495 = arith.muli %add3A_105, %mul3A_494 : i32
        %add3A_496 = arith.constant 6 : i32
        %add3A_497 = arith.addi %mul3A_495, %add3A_496 : i32
        %get3A_498 = arith.index_cast %add3A_497 : i32 to index
        %get3A_499 = arith.constant 32 : index
        %get3A_500 = tpu.vector_load %arg7[%get3A_498, %get3A_499] {strides = array<i32>} : memref<200x128xf32, #tpu.memory_space<vmem>>, vector<1x16xf32>,
        %get3A_501 = vector.shape_cast %get3A_500 : vector<1x16xf32> to vector<16xf32>
        %swap3A_502 = arith.constant 6 : i32
        %swap3A_503 = arith.index_cast %add3A_105 : i32 to index
        %swap3A_504 = arith.index_cast %swap3A_502 : i32 to index
        %swap3A_505 = arith.constant 32 : index
        %swap3A_506 = tpu.vector_load %arg9[%swap3A_503, %swap3A_504, %swap3A_505] {strides = array<i32>} : memref<25x8x64xf32, #tpu.memory_space<vmem>>, vector<1x1x16xf32>,
        %swap3A_507 = vector.shape_cast %swap3A_506 : vector<1x1x16xf32> to vector<16xf32>
        %swap3A_508 = vector.shape_cast %get3A_501 : vector<16xf32> to vector<1x1x16xf32>
        tpu.vector_store %arg9[%swap3A_503, %swap3A_504, %swap3A_505], %swap3A_508 {strides = array<i32>} : memref<25x8x64xf32, #tpu.memory_space<vmem>>, vector<1x1x16xf32>,
        %mul3A_509 = arith.constant 8 : i32
        %mul3A_510 = arith.muli %add3A_105, %mul3A_509 : i32
        %add3A_511 = arith.constant 6 : i32
        %add3A_512 = arith.addi %mul3A_510, %add3A_511 : i32
        %get3A_513 = arith.index_cast %add3A_512 : i32 to index
        %get3A_514 = arith.constant 48 : index
        %get3A_515 = tpu.vector_load %arg7[%get3A_513, %get3A_514] {strides = array<i32>} : memref<200x128xf32, #tpu.memory_space<vmem>>, vector<1x16xf32>,
        %get3A_516 = vector.shape_cast %get3A_515 : vector<1x16xf32> to vector<16xf32>
        %swap3A_517 = arith.constant 6 : i32
        %swap3A_518 = arith.index_cast %add3A_105 : i32 to index
        %swap3A_519 = arith.index_cast %swap3A_517 : i32 to index
        %swap3A_520 = arith.constant 48 : index
        %swap3A_521 = tpu.vector_load %arg9[%swap3A_518, %swap3A_519, %swap3A_520] {strides = array<i32>} : memref<25x8x64xf32, #tpu.memory_space<vmem>>, vector<1x1x16xf32>,
        %swap3A_522 = vector.shape_cast %swap3A_521 : vector<1x1x16xf32> to vector<16xf32>
        %swap3A_523 = vector.shape_cast %get3A_516 : vector<16xf32> to vector<1x1x16xf32>
        tpu.vector_store %arg9[%swap3A_518, %swap3A_519, %swap3A_520], %swap3A_523 {strides = array<i32>} : memref<25x8x64xf32, #tpu.memory_space<vmem>>, vector<1x1x16xf32>,
        %mul3A_524 = arith.constant 8 : i32
        %mul3A_525 = arith.muli %add3A_105, %mul3A_524 : i32
        %add3A_526 = arith.constant 7 : i32
        %add3A_527 = arith.addi %mul3A_525, %add3A_526 : i32
        %get3A_528 = arith.index_cast %add3A_527 : i32 to index
        %get3A_529 = arith.constant 0 : index
        %get3A_530 = tpu.vector_load %arg7[%get3A_528, %get3A_529] {strides = array<i32>} : memref<200x128xf32, #tpu.memory_space<vmem>>, vector<1x16xf32>,
        %get3A_531 = vector.shape_cast %get3A_530 : vector<1x16xf32> to vector<16xf32>
        %swap3A_532 = arith.constant 7 : i32
        %swap3A_533 = arith.index_cast %add3A_105 : i32 to index
        %swap3A_534 = arith.index_cast %swap3A_532 : i32 to index
        %swap3A_535 = arith.constant 0 : index
        %swap3A_536 = tpu.vector_load %arg9[%swap3A_533, %swap3A_534, %swap3A_535] {strides = array<i32>} : memref<25x8x64xf32, #tpu.memory_space<vmem>>, vector<1x1x16xf32>,
        %swap3A_537 = vector.shape_cast %swap3A_536 : vector<1x1x16xf32> to vector<16xf32>
        %swap3A_538 = vector.shape_cast %get3A_531 : vector<16xf32> to vector<1x1x16xf32>
        tpu.vector_store %arg9[%swap3A_533, %swap3A_534, %swap3A_535], %swap3A_538 {strides = array<i32>} : memref<25x8x64xf32, #tpu.memory_space<vmem>>, vector<1x1x16xf32>,
        %mul3A_539 = arith.constant 8 : i32
        %mul3A_540 = arith.muli %add3A_105, %mul3A_539 : i32
        %add3A_541 = arith.constant 7 : i32
        %add3A_542 = arith.addi %mul3A_540, %add3A_541 : i32
        %get3A_543 = arith.index_cast %add3A_542 : i32 to index
        %get3A_544 = arith.constant 16 : index
        %get3A_545 = tpu.vector_load %arg7[%get3A_543, %get3A_544] {strides = array<i32>} : memref<200x128xf32, #tpu.memory_space<vmem>>, vector<1x16xf32>,
        %get3A_546 = vector.shape_cast %get3A_545 : vector<1x16xf32> to vector<16xf32>
        %swap3A_547 = arith.constant 7 : i32
        %swap3A_548 = arith.index_cast %add3A_105 : i32 to index
        %swap3A_549 = arith.index_cast %swap3A_547 : i32 to index
        %swap3A_550 = arith.constant 16 : index
        %swap3A_551 = tpu.vector_load %arg9[%swap3A_548, %swap3A_549, %swap3A_550] {strides = array<i32>} : memref<25x8x64xf32, #tpu.memory_space<vmem>>, vector<1x1x16xf32>,
        %swap3A_552 = vector.shape_cast %swap3A_551 : vector<1x1x16xf32> to vector<16xf32>
        %swap3A_553 = vector.shape_cast %get3A_546 : vector<16xf32> to vector<1x1x16xf32>
        tpu.vector_store %arg9[%swap3A_548, %swap3A_549, %swap3A_550], %swap3A_553 {strides = array<i32>} : memref<25x8x64xf32, #tpu.memory_space<vmem>>, vector<1x1x16xf32>,
        %mul3A_554 = arith.constant 8 : i32
        %mul3A_555 = arith.muli %add3A_105, %mul3A_554 : i32
        %add3A_556 = arith.constant 7 : i32
        %add3A_557 = arith.addi %mul3A_555, %add3A_556 : i32
        %get3A_558 = arith.index_cast %add3A_557 : i32 to index
        %get3A_559 = arith.constant 32 : index
        %get3A_560 = tpu.vector_load %arg7[%get3A_558, %get3A_559] {strides = array<i32>} : memref<200x128xf32, #tpu.memory_space<vmem>>, vector<1x16xf32>,
        %get3A_561 = vector.shape_cast %get3A_560 : vector<1x16xf32> to vector<16xf32>
        %swap3A_562 = arith.constant 7 : i32
        %swap3A_563 = arith.index_cast %add3A_105 : i32 to index
        %swap3A_564 = arith.index_cast %swap3A_562 : i32 to index
        %swap3A_565 = arith.constant 32 : index
        %swap3A_566 = tpu.vector_load %arg9[%swap3A_563, %swap3A_564, %swap3A_565] {strides = array<i32>} : memref<25x8x64xf32, #tpu.memory_space<vmem>>, vector<1x1x16xf32>,
        %swap3A_567 = vector.shape_cast %swap3A_566 : vector<1x1x16xf32> to vector<16xf32>
        %swap3A_568 = vector.shape_cast %get3A_561 : vector<16xf32> to vector<1x1x16xf32>
        tpu.vector_store %arg9[%swap3A_563, %swap3A_564, %swap3A_565], %swap3A_568 {strides = array<i32>} : memref<25x8x64xf32, #tpu.memory_space<vmem>>, vector<1x1x16xf32>,
        %mul3A_569 = arith.constant 8 : i32
        %mul3A_570 = arith.muli %add3A_105, %mul3A_569 : i32
        %add3A_571 = arith.constant 7 : i32
        %add3A_572 = arith.addi %mul3A_570, %add3A_571 : i32
        %get3A_573 = arith.index_cast %add3A_572 : i32 to index
        %get3A_574 = arith.constant 48 : index
        %get3A_575 = tpu.vector_load %arg7[%get3A_573, %get3A_574] {strides = array<i32>} : memref<200x128xf32, #tpu.memory_space<vmem>>, vector<1x16xf32>,
        %get3A_576 = vector.shape_cast %get3A_575 : vector<1x16xf32> to vector<16xf32>
        %swap3A_577 = arith.constant 7 : i32
        %swap3A_578 = arith.index_cast %add3A_105 : i32 to index
        %swap3A_579 = arith.index_cast %swap3A_577 : i32 to index
        %swap3A_580 = arith.constant 48 : index
        %swap3A_581 = tpu.vector_load %arg9[%swap3A_578, %swap3A_579, %swap3A_580] {strides = array<i32>} : memref<25x8x64xf32, #tpu.memory_space<vmem>>, vector<1x1x16xf32>,
        %swap3A_582 = vector.shape_cast %swap3A_581 : vector<1x1x16xf32> to vector<16xf32>
        %swap3A_583 = vector.shape_cast %get3A_576 : vector<16xf32> to vector<1x1x16xf32>
        tpu.vector_store %arg9[%swap3A_578, %swap3A_579, %swap3A_580], %swap3A_583 {strides = array<i32>} : memref<25x8x64xf32, #tpu.memory_space<vmem>>, vector<1x1x16xf32>,
      }
      %scan3A_89 = arith.constant 25 : i32
      %add3A_90 = arith.addi %mul3A_4, %add3A_67 : i32
      %dma_start3A_91 = arith.constant 0 : i32
      %dma_start3A_92 = arith.constant 0 : i32
      %dma_start3A_93 = arith.constant 0 : i32
      %dma_start3A_94 = tpu.memref_slice %arg4[%add3A_90, %dma_start3A_91, %dma_start3A_92, %dma_start3A_93] : memref<4096x25x8x64xf32, #tpu.memory_space<hbm>> -> memref<1x25x8x64xf32, #tpu.memory_space<hbm>>
      %dma_start3A_95 = tpu.memref_squeeze %dma_start3A_94 : memref<1x25x8x64xf32, #tpu.memory_space<hbm>> -> memref<25x8x64xf32, #tpu.memory_space<hbm>>
      %dma_start3A_96 = arith.constant 0 : i32
      %dma_start3A_97 = arith.constant 0 : i32
      %dma_start3A_98 = arith.constant 0 : i32
      %dma_start3A_99 = tpu.memref_slice %arg4[%add3A_90, %dma_start3A_96, %dma_start3A_97, %dma_start3A_98] : memref<4096x25x8x64xf32, #tpu.memory_space<hbm>> -> memref<1x25x8x64xf32, #tpu.memory_space<hbm>>
      %dma_start3A_100 = tpu.memref_squeeze %dma_start3A_99 : memref<1x25x8x64xf32, #tpu.memory_space<hbm>> -> memref<25x8x64xf32, #tpu.memory_space<hbm>>
      tpu.enqueue_dma source(%arg9 : memref<25x8x64xf32, #tpu.memory_space<vmem>>) target(%dma_start3A_100 : memref<25x8x64xf32, #tpu.memory_space<hbm>>) target_semaphore(%arg13 : memref<!tpu.dma_semaphore, #tpu.memory_space<semaphore_mem>>)
    }
    %scan3A_12 = arith.constant 64 : i32
    %dma_wait3A = arith.constant 0 : i32
    %dma_wait3A_13 = arith.constant 0 : i32
    %dma_wait3A_14 = arith.constant 0 : i32
    %dma_wait3A_15 = tpu.memref_slice %arg4[%mul3A_4, %dma_wait3A, %dma_wait3A_13, %dma_wait3A_14] : memref<4096x25x8x64xf32, #tpu.memory_space<hbm>> -> memref<1x25x8x64xf32, #tpu.memory_space<hbm>>
    %dma_wait3A_16 = tpu.memref_squeeze %dma_wait3A_15 : memref<1x25x8x64xf32, #tpu.memory_space<hbm>> -> memref<25x8x64xf32, #tpu.memory_space<hbm>>
    %dma_wait3A_17 = arith.constant 0 : i32
    %dma_wait3A_18 = arith.constant 0 : i32
    %dma_wait3A_19 = arith.constant 0 : i32
    %dma_wait3A_20 = tpu.memref_slice %arg4[%mul3A_4, %dma_wait3A_17, %dma_wait3A_18, %dma_wait3A_19] : memref<4096x25x8x64xf32, #tpu.memory_space<hbm>> -> memref<1x25x8x64xf32, #tpu.memory_space<hbm>>
    %dma_wait3A_21 = tpu.memref_squeeze %dma_wait3A_20 : memref<1x25x8x64xf32, #tpu.memory_space<hbm>> -> memref<25x8x64xf32, #tpu.memory_space<hbm>>
    tpu.wait_dma2 semaphore(%arg12 : memref<!tpu.dma_semaphore, #tpu.memory_space<semaphore_mem>>) src(%arg8 : memref<25x8x64xf32, #tpu.memory_space<vmem>>) dst(%dma_wait3A_21 : memref<25x8x64xf32, #tpu.memory_space<hbm>>)
    %dma_wait3A_22 = arith.constant 0 : i32
    %dma_wait3A_23 = arith.constant 0 : i32
    %dma_wait3A_24 = arith.constant 0 : i32
    %dma_wait3A_25 = tpu.memref_slice %arg4[%mul3A_4, %dma_wait3A_22, %dma_wait3A_23, %dma_wait3A_24] : memref<4096x25x8x64xf32, #tpu.memory_space<hbm>> -> memref<1x25x8x64xf32, #tpu.memory_space<hbm>>
    %dma_wait3A_26 = tpu.memref_squeeze %dma_wait3A_25 : memref<1x25x8x64xf32, #tpu.memory_space<hbm>> -> memref<25x8x64xf32, #tpu.memory_space<hbm>>
    %dma_wait3A_27 = arith.constant 0 : i32
    %dma_wait3A_28 = arith.constant 0 : i32
    %dma_wait3A_29 = arith.constant 0 : i32
    %dma_wait3A_30 = tpu.memref_slice %arg4[%mul3A_4, %dma_wait3A_27, %dma_wait3A_28, %dma_wait3A_29] : memref<4096x25x8x64xf32, #tpu.memory_space<hbm>> -> memref<1x25x8x64xf32, #tpu.memory_space<hbm>>
    %dma_wait3A_31 = tpu.memref_squeeze %dma_wait3A_30 : memref<1x25x8x64xf32, #tpu.memory_space<hbm>> -> memref<25x8x64xf32, #tpu.memory_space<hbm>>
    tpu.wait_dma2 semaphore(%arg13 : memref<!tpu.dma_semaphore, #tpu.memory_space<semaphore_mem>>) src(%arg9 : memref<25x8x64xf32, #tpu.memory_space<vmem>>) dst(%dma_wait3A_31 : memref<25x8x64xf32, #tpu.memory_space<hbm>>)
    return
  }
}

</mosaic_0001>

<sc_bundles>
// kernel: _embed.3.cloned.1.call-start
scs
__scs_entry_jumppad:
0x0: {  	(pc) =	sbr.rel $0x88, $3  }
0x1: {  	(tag) =	ssettag $0x0;
	lr =	simm.s32 $0x1  }
0x2: {  	[smem:$0x3F9F] =	sst lr;
	_ =	strace $0xD0000000  }
0x3: {  	_ = 	snop  }
0x4: {  	_ = 	snop  }
0x5: {  	_ = 	snop  }
0x6: {  	_ = 	snop  }
0x7: {  	_ = 	snop  }
__scs_overlays_trampoline_lowered:
0x8: {  	[smem:$0x3FAE] =	sst s0  }
0x9: {  	[smem:$0x3FAF] =	sst s1  }
0xa: {  	[smem:$0x3FB0] =	sst s2  }
0xb: {  	[smem:$0x3FB1] =	sst s3  }
0xc: {  	[smem:$0x3FB2] =	sst s4  }
0xd: {  	[smem:$0x3FB3] =	sst s5  }
0xe: {  	[smem:$0x3FB4] =	sst s6  }
0xf: {  	[smem:$0x3FB5] =	sst s7  }
0x10: {  	[smem:$0x3FB6] =	sst s8  }
0x11: {  	[smem:$0x3FB7] =	sst s9;
	s0 =	simm.s32 @!p0 $0x0  }
0x12: {  	s1 =	sld [smem:$0x3F9D];
	s0 =	simm.s32 @p0 $0x1  }
0x13: {  	[smem:$0x3FB8] =	sst s0;
	s0 =	simm.s32 @!p1 $0x0  }
0x14: {  	s2 =	sld [smem:$0x3F9C];
	s0 =	simm.s32 @p1 $0x1  }
0x15: {  	[smem:$0x3FB9] =	sst s0;
	s0 =	simm.s32 @!p2 $0x0  }
0x16: {  	s3 =	sld [smem:$0x3FDB];
	s0 =	simm.s32 @p2 $0x1  }
0x17: {  	s4 =	simm.s32 $0x1BF5;
	[smem:$0x3FBB] =	sst s0  }
0x18: {  	s0 =	sld [smem:$0x3F9E];
	_ =	swait.ge [sflag:s4], $0x0  }
0x19: {  	s7 =	sld [smem:$0x3F9F]  }
0x1a: {  	s8 =	sadd.s32 $0xFFFFE003, lr  }
0x1b: {  	s9 =	sadd.s32 $0xFFFFFEF7, lr;
	s5 =	simm.s32 $0xFFFFFFFF;
	p2 =	slt.u32 s8, $0xFFFFF086  }
0x1c: {  	p1 =	slt.u32 s9, $0xF7A;
	s5 =	simm.s32 @!p2 $0x0  }
0x1d: {  	s5 =	simm.s32 @p1 $0x1;
	p0 =	seq.s32 s7, s2  }
0x1e: {  	s7 =	smul.u32 @!p0 $0xF7A, s2;
	p2 =	seq.s32 @!p0 s5, $0x0  }
0x1f: {  	s9 =	smul.u32 $0xF7A, s1;
	s8 =	simm.s32 @!p0 $0x1BF5;
	p2 =	por !p2, p0  }
0x20: {  	[sflag:s8] =	ssyncset.s32 @!p0 $0xFFFFF086;
	s6 =	sadd.s32 @!p0 s3, s7;
	s7 =	simm.s32 @!p0 $0x108  }
0x21: {  	s3 =	sadd.s32 s3, s9;
	s6 =	sadd.s32 @!p0 $0x88, s6;
	s7 =	simm.s32 @p2 $0x1082  }
0x22: {  	[simem:s7], [sflag:s8] =	dma.local @!p0 [hbm:s6], $0xF7A  }
0x23: {  	s9 =	sor.u32 $0xD0000000, s2;
	s6 =	simm.s32 $0x108;
	_ =	swait.ge @!p0 [sflag:s8], $0x0  }
0x24: {  	s3 =	sadd.s32 $0x88, s3;
	s6 =	simm.s32 @!p1 $0x1082;
	[sflag:s4] =	ssyncset.s32 $0xFFFFF086  }
0x25: {  	[simem:s6], [sflag:s4] =	dma.local [hbm:s3], $0xF7A  }
0x26: {  	[smem:$0x3F9F] =	sst s1;
	(tag) =	ssettag s2;
	_ =	strace s9  }
0x27: {  	s1 =	sld [smem:$0x3FAF]  }
0x28: {  	s2 =	sld [smem:$0x3FB0]  }
0x29: {  	s4 =	sld [smem:$0x3FB2]  }
0x2a: {  	p0 =	seq.s32 s5, $0x0;
	s5 =	sld [smem:$0x3FB3]  }
0x2b: {  	s6 =	sld [smem:$0x3FB4]  }
0x2c: {  	s7 =	sld [smem:$0x3FB5]  }
0x2d: {  	s3 =	simm.s32 $0x108;
	s8 =	sld [smem:$0x3FB6]  }
0x2e: {  	s3 =	simm.s32 @!p0 $0x1082;
	s9 =	sld [smem:$0x3FB7]  }
0x2f: {  	lr =	sadd.s32 s0, s3;
	s0 =	sld [smem:$0x3FAE]  }
0x30: {  	s3 =	sld [smem:$0x3FB1]  }
0x31: {  	[smem:$0x3FBA] =	sst s10  }
0x32: {  	s10 =	sld [smem:$0x3FB8];
	_ =	sdelay $0x3  }
0x33: {  	p0 =	seq.s32 s10, $0x1;
	s10 =	sld [smem:$0x3FBA];
	_ =	sdelay $0x3  }
0x34: {  	[smem:$0x3FBA] =	sst s10  }
0x35: {  	s10 =	sld [smem:$0x3FB9];
	_ =	sdelay $0x3  }
0x36: {  	p1 =	seq.s32 s10, $0x1;
	s10 =	sld [smem:$0x3FBA];
	_ =	sdelay $0x3  }
0x37: {  	[smem:$0x3FBA] =	sst s10  }
0x38: {  	s10 =	sld [smem:$0x3FBB]  }
0x39: {  	_ = 	snop;
	(pc) =	sbr.ind lr, $3  }
0x3a: {  	_ = 	snop  }
0x3b: {  	_ = 	snop  }
0x3c: {  	p2 =	seq.s32 s10, $0x1;
	s10 =	sld [smem:$0x3FBA]  }
0x3d: {  	_ =	shalt  }
0x3e: {  	_ =	shalt  }
0x3f: {  	_ =	shalt  }
0x40: {  	_ =	shalt  }
0x41: {  	_ =	shalt  }
0x42: {  	_ =	shalt  }
0x43: {  	_ =	shalt  }
0x44: {  	_ =	shalt  }
0x45: {  	_ =	shalt  }
0x46: {  	_ =	shalt  }
0x47: {  	_ =	shalt  }
0x48: {  	_ =	shalt  }
0x49: {  	_ =	shalt  }
0x4a: {  	_ =	shalt  }
0x4b: {  	_ =	shalt  }
0x4c: {  	_ =	shalt  }
0x4d: {  	_ =	shalt  }
0x4e: {  	_ =	shalt  }
0x4f: {  	_ =	shalt  }
0x50: {  	_ =	shalt  }
0x51: {  	_ =	shalt  }
0x52: {  	_ =	shalt  }
0x53: {  	_ =	shalt  }
0x54: {  	_ =	shalt  }
0x55: {  	_ =	shalt  }
0x56: {  	_ =	shalt  }
0x57: {  	_ =	shalt  }
0x58: {  	_ =	shalt  }
0x59: {  	_ =	shalt  }
0x5a: {  	_ =	shalt  }
0x5b: {  	_ =	shalt  }
0x5c: {  	_ =	shalt  }
0x5d: {  	_ =	shalt  }
0x5e: {  	_ =	shalt  }
0x5f: {  	_ =	shalt  }
0x60: {  	_ =	shalt  }
0x61: {  	_ =	shalt  }
0x62: {  	_ =	shalt  }
0x63: {  	_ =	shalt  }
0x64: {  	_ =	shalt  }
0x65: {  	_ =	shalt  }
0x66: {  	_ =	shalt  }
0x67: {  	_ =	shalt  }
0x68: {  	_ =	shalt  }
0x69: {  	_ =	shalt  }
0x6a: {  	_ =	shalt  }
0x6b: {  	_ =	shalt  }
0x6c: {  	_ =	shalt  }
0x6d: {  	_ =	shalt  }
0x6e: {  	_ =	shalt  }
0x6f: {  	_ =	shalt  }
0x70: {  	_ =	shalt  }
0x71: {  	_ =	shalt  }
0x72: {  	_ =	shalt  }
0x73: {  	_ =	shalt  }
0x74: {  	_ =	shalt  }
0x75: {  	_ =	shalt  }
0x76: {  	_ =	shalt  }
0x77: {  	_ =	shalt  }
0x78: {  	_ =	shalt  }
0x79: {  	_ =	shalt  }
0x7a: {  	_ =	shalt  }
0x7b: {  	_ =	shalt  }
0x7c: {  	_ =	shalt  }
0x7d: {  	_ =	shalt  }
0x7e: {  	_ =	shalt  }
0x7f: {  	_ =	shalt  }
0x80: {  	_ =	shalt  }
0x81: {  	_ =	shalt  }
0x82: {  	_ =	shalt  }
0x83: {  	_ =	shalt  }
0x84: {  	_ =	shalt  }
0x85: {  	_ =	shalt  }
0x86: {  	_ =	shalt  }
0x87: {  	_ =	shalt  }
.Lfunc_end0:
.L_simem_size_0:
called_computation_lowered:
.L_overlay_start_0:
0x88: {  	s2 =	sld [smem:$0x3FD9]  }
0x89: {  	s3 =	sld [smem:$0x3FFE];
	_ =	sdelay $0x1  }
0x8a: {  	s1 =	srdreg.scid  }
0x8b: {  	s0 =	sand.u32 $0x1, s1  }
0x8c: {  	s17 =	sshll.u32 s0, $0xA;
	s2 =	sadd.s32 s3, s2  }
0x8d: {  	s2 =	sadd.s32 s2, s17  }
0x8e: {  	[smem:$0x3FC6] =	sst s2  }
0x8f: {  	_ = 	snop  }
0x90: {  	s2 =	sld [smem:$0x3FC9];
	(tm) =	ssettm $0x1  }
0x91: {  	s18 =	sld [smem:$0x3FFB];
	_ =	sdelay $0x3  }
0x92: {  	_ =	strace s18  }
0x93: {  	s3 =	sld [smem:$0x3FFC];
	_ =	sdelay $0x3  }
0x94: {  	_ =	strace s3  }
0x95: {  	s3 =	sld [smem:$0x3FFD];
	_ =	sdelay $0x3  }
0x96: {  	_ =	strace s3  }
0x97: {  	_ =	strace $0x8FFFFFFF  }
0x98: {  	s19 =	sld [smem:$0x3FDB];
	_ =	sdelay $0x1  }
0x99: {  	s4 =	simm.s32 $_scs_section_size  }
0x9a: {  	s5 =	simm.s32 $_size__tile_overlayer_lowered;
	s6 =	simm.s32 $_tile_overlayer_lowered  }
0x9b: {  	s22 =	simm.s32 $0x1BFF;
	s21 =	sshll.u32 s6, $0x1;
	s3 =	sadd.s32 s4, s19  }
0x9c: {  	s7 =	simm.s32 $0x0;
	s20 =	sshll.u32 s5, $0x1;
	s5 =	sadd.s32 s21, s3  }
0x9d: {  	[timem:s7], [sflag:s22] =	dma.local [hbm:s5], s20  }
0x9e: {  	_ =	swait.ge [sflag:s22], s20  }
0x9f: {  	s4 =	ssub.s32 $0x0, s20;
	[sflag:s22] =	ssyncset.done $0x0  }
0xa0: {  	[sflag:s22] =	ssyncadd.s32 s4;
	_ =	sdelay $0x1  }
0xa1: {  	s23 =	simm.s32 $0x1B8B  }
0xa2: {  	_ =	swait.ge [sflag:s23], $0x1  }
0xa3: {  	[sflag:s23] =	ssyncset.done $0x0  }
0xa4: {  	s25 =	simm.s32 $0x1B8E;
	s24 =	sld [smem:$0x3FFE];
	[sflag:s23] =	ssyncadd.s32 $0xFFFFFFFF  }
0xa5: {  	s26 =	simm.s32 $execute0_lowered;
	[smem:$0x3FD2] =	sst s25  }
0xa6: {  	s5 =	sshll.u32 s26, $0x1;
	_ =	strace $0x80000046;
	[dreg:$0x1] =	wrdreg $0xFFFFFFFF  }
0xa7: {  	s28 =	simm.s32 $_size_execute0_lowered;
	s3 =	sadd.s32 s3, s5;
	[dreg:$0x0] =	wrdreg $0x0  }
0xa8: {  	s5 =	sshll.u32 s28, $0x1;
	[dreg:$0x2] =	wrdreg s3  }
0xa9: {  	[dreg:$0x3] =	wrdreg s5  }
0xaa: {  	[dreg:$0x4] =	wrdreg $0xC0  }
0xab: {  	_ =	task [dreg:s7], $0x5FFFF  }
0xac: {  	[dreg:$0x1] =	wrdreg $0xFFFFFFFF  }
0xad: {  	[dreg:$0x0] =	wrdreg $0x60  }
0xae: {  	[dreg:$0x2] =	wrdreg s2  }
0xaf: {  	[dreg:$0x3] =	wrdreg s24  }
0xb0: {  	[dreg:$0x4] =	wrdreg $0x9  }
0xb1: {  	_ =	task.clear_ibuf [dreg:s7], $0x5FFFF;
	_ =	strace $0x90000046  }
0xb2: {  	s29 =	simm.s32 $0x9;
	_ =	strace $0x80000048  }
0xb3: {  	_ =	swait.ge [sflag:s29], $0x1  }
0xb4: {  	[sflag:s29] =	ssyncadd.s32 $0xFFFFFFFF  }
0xb5: {  	_ =	strace $0x90000048  }
0xb6: {  	_ =	sfence  }
0xb7: {  	s30 =	sld [smem:$0x0];
	_ =	sdelay $0x2  }
0xb8: {  	s31 =	sshll.u32 s1, $0xD;
	s1 =	sshrl.u32 s1, $0x2  }
0xb9: {  	s3 =	sand.u32 $0x4000, s31;
	s1 =	sadd.s32 s1, s30  }
0xba: {  	s0 =	sor.u32 s3, s0;
	s1 =	sshll.u32 s1, $0x11  }
0xbb: {  	s0 =	sor.u32 s1, s0  }
0xbc: {  	s0 =	sadd.s32 $0x8F2B, s0  }
0xbd: {  	[sflag:s0] =	ssyncadd.remote.s32 $0x1  }
0xbe: {  	_ =	sfence.sel $0xFFFF  }
0xbf: {  	[dreg:$0x0] =	wrdreg $0xFFFFFFFF;
	(pc) =	sbr.abs _section_cstart, $3  }
0xc0: {  	[dreg:$0x1] =	wrdreg $0xFFFFFFFF  }
0xc1: {  	_ =	task.clear_ibuf [dreg:s7], $0x2FFFF;
	_ =	strace $0x9FFFFFFF  }
0xc2: {  	(tm) =	ssettm $0x7FFFFFFF  }
0xc3: {  	_ =	shalt  }
tec
execute0_lowered:
.L_overlay_start_1:
0x0: {  	(tag) =	ssettag $0x1  }
0x1: {  	s6 =	rddreg [dreg:$0x0]  }
0x2: {  	s4 =	rddreg [dreg:$0x1]  }
0x3: {  	s0 =	rddreg [dreg:$0x2];
	s3 =	srdreg.scid  }
0x4: {  	s1 =	stileid.u32;
	s2 =	simm.s32 $0x0;
	s10 =	simm.s32 $0x6400  }
0x5: {  	s11 =	simm.s32 $0xC800;
	s12 =	simm.s32 $0x1;
	s13 =	simm.s32 $0x12C00  }
0x6: {  	s14 =	simm.s32 $0x2;
	s15 =	simm.s32 $0x4;
	s16 =	simm.s32 $0x19000  }
0x7: {  	s17 =	simm.s32 $0x3;
	s3 =	sand.u32 $0x1, s3;
	s5 =	sshll.u32 s1, $0x1  }
0x8: {  	s18 =	simm.s32 $0x0;
	[smem:$0x7FF] =	sst s2;
	s5 =	sor.u32 s3, s5  }
0x9: {  	_ =	strace $0x80000047;
	s7 =	ssub.s32 $0x2, s3;
	s3 =	sadd.s32 $0x400, s4  }
0xa: {  	s4 =	sadd.s32 $0xF42800, s4;
	s8 =	smul.u32 $0xC80, s5;
	s9 =	sshrl.u32 s7, $0x1  }
0xb: {  	s5 =	sshll.u32 s5, $0x7;
	s7 =	ssub.s32 s7, s9;
	s9 =	simm.s32 $0xC8  }
0xc: {  	s6 =	sadd.s32 s6, s8;
	s7 =	smax.u32 s7, $0x1;
	s8 =	simm.s32 $0x5  }
.LBB2_1:
0xd: {  	[tilespmem:s2], [sflag:$0x5] =	stream.linear.gather [hbm4b:s6+s2], $0x6400, $0x38;
	[tilespmem:$0x1F400] =	vst v63  }
0xe: {  	_ =	swait.ge [sflag:s8], $0x6400  }
0xf: {  	[sflag:s8] =	ssyncset.done $0x0  }
0x10: {  	s19 =	simm.s32 $0x0;
	[sflag:s8] =	ssyncadd.s32 $0xFFFF9C00  }
0x11: {  	[tilespmem:s10], [sflag:$0x1] =	stream.indirect.gather [hbm4b:s3+s9], $0x80, s2, s9, $0xb8;
	[tilespmem:$0x1F400] =	vst v63  }
.LBB2_2:
0x12: {  	s20 =	sshllo.u32 s19, $0x1  }
0x13: {  	s21 =	smul.u32 $0x320, s20;
	_ =	sdelay $0x1  }
0x14: {  	s21 =	sshra.s32 s21, $0x2  }
0x15: {  	[tilespmem:s11], [sflag:$0x2] =	stream.indirect.gather [hbm4b:s3+s9], $0x80, s21, s9, $0xb8;
	[tilespmem:$0x1F400] =	vst v63  }
0x16: {  	_ =	swait.ge [sflag:s12], $0x6400  }
0x17: {  	p0 =	seq.s32 s19, $0x0;
	[sflag:s12] =	ssyncset.done $0x0  }
0x18: {  	s21 =	simm.s32 @!p0 $0x3;
	[sflag:s12] =	ssyncadd.s32 $0xFFFF9C00  }
0x19: {  	_ =	swait.ge @!p0 [sflag:s21], $0x6400  }
0x1a: {  	[sflag:s21] =	ssyncset.done @!p0 $0x0  }
0x1b: {  	[sflag:s21] =	ssyncadd.s32 @!p0 $0xFFFF9C00;
	s21 =	simm.s32 $0x0  }
0x1c: {  	v0 =	vld [tilespmem:s21+$0x67B0]  }
0x1d: {  	v1 =	vld [tilespmem:s21+$0x6400]  }
0x1e: {  	v2 =	vld [tilespmem:s21+$0x6410]  }
0x1f: {  	v3 =	vld [tilespmem:s21+$0x6420]  }
0x20: {  	v4 =	vld [tilespmem:s21+$0x6430]  }
0x21: {  	v5 =	vld [tilespmem:s21+$0x6480];
	[tilespmem:s21+$0x12FB0] =	vst v0  }
0x22: {  	[tilespmem:s21+$0x12C00] =	vst v1;
	v0 =	vld [tilespmem:s21+$0x6490]  }
0x23: {  	[tilespmem:s21+$0x12C10] =	vst v2;
	v1 =	vld [tilespmem:s21+$0x64A0]  }
0x24: {  	[tilespmem:s21+$0x12C20] =	vst v3;
	v2 =	vld [tilespmem:s21+$0x64B0]  }
0x25: {  	[tilespmem:s21+$0x12C30] =	vst v4;
	v3 =	vld [tilespmem:s21+$0x6500]  }
0x26: {  	[tilespmem:s21+$0x12C80] =	vst v5;
	v4 =	vld [tilespmem:s21+$0x6510]  }
0x27: {  	v5 =	vld [tilespmem:s21+$0x6710];
	[tilespmem:s21+$0x12C90] =	vst v0  }
0x28: {  	v0 =	vld [tilespmem:s21+$0x6520];
	[tilespmem:s21+$0x12CA0] =	vst v1  }
0x29: {  	v1 =	vld [tilespmem:s21+$0x6530];
	[tilespmem:s21+$0x12CB0] =	vst v2  }
0x2a: {  	v2 =	vld [tilespmem:s21+$0x6580];
	[tilespmem:s21+$0x12D00] =	vst v3  }
0x2b: {  	v3 =	vld [tilespmem:s21+$0x6590];
	[tilespmem:s21+$0x12D10] =	vst v4  }
0x2c: {  	v4 =	vld [tilespmem:s21+$0x65A0];
	[tilespmem:s21+$0x12F10] =	vst v5  }
0x2d: {  	[tilespmem:s21+$0x12D20] =	vst v0;
	v0 =	vld [tilespmem:s21+$0x65B0]  }
0x2e: {  	[tilespmem:s21+$0x12D30] =	vst v1;
	v1 =	vld [tilespmem:s21+$0x6600]  }
0x2f: {  	[tilespmem:s21+$0x12D80] =	vst v2;
	v2 =	vld [tilespmem:s21+$0x6610]  }
0x30: {  	[tilespmem:s21+$0x12D90] =	vst v3;
	v3 =	vld [tilespmem:s21+$0x6620]  }
0x31: {  	[tilespmem:s21+$0x12DA0] =	vst v4;
	v4 =	vld [tilespmem:s21+$0x6630]  }
0x32: {  	[tilespmem:s21+$0x12DB0] =	vst v0;
	v0 =	vld [tilespmem:s21+$0x6680]  }
0x33: {  	[tilespmem:s21+$0x12E00] =	vst v1;
	v1 =	vld [tilespmem:s21+$0x6690]  }
0x34: {  	[tilespmem:s21+$0x12E10] =	vst v2;
	v2 =	vld [tilespmem:s21+$0x66A0]  }
0x35: {  	[tilespmem:s21+$0x12E20] =	vst v3;
	v3 =	vld [tilespmem:s21+$0x66B0]  }
0x36: {  	[tilespmem:s21+$0x12E30] =	vst v4;
	v4 =	vld [tilespmem:s21+$0x6700]  }
0x37: {  	[tilespmem:s21+$0x12E80] =	vst v0;
	v0 =	vld [tilespmem:s21+$0x6720]  }
0x38: {  	[tilespmem:s21+$0x12E90] =	vst v1;
	v1 =	vld [tilespmem:s21+$0x6730]  }
0x39: {  	[tilespmem:s21+$0x12EA0] =	vst v2;
	v2 =	vld [tilespmem:s21+$0x6780]  }
0x3a: {  	[tilespmem:s21+$0x12EB0] =	vst v3;
	v3 =	vld [tilespmem:s21+$0x6790]  }
0x3b: {  	s22 =	sshll.u32 s19, $0x1;
	s24 =	simm.s32 $0x400;
	s23 =	simm.s32 $0x2000;
	[tilespmem:s21+$0x12F00] =	vst v4;
	v4 =	vld [tilespmem:s21+$0x67A0]  }
.LBB2_3:
0x3c: {  	p1 =	sne.s32 s23, $0x18000;
	v5 =	vld [tilespmem:s24+$0x67B0];
	[tilespmem:s21+$0x12F20] =	vst v0  }
0x3d: {  	v0 =	vld [tilespmem:s24+$0x6400];
	[tilespmem:s21+$0x12F30] =	vst v1  }
0x3e: {  	v1 =	vld [tilespmem:s24+$0x6410];
	[tilespmem:s21+$0x12F80] =	vst v2  }
0x3f: {  	v2 =	vld [tilespmem:s24+$0x6420];
	[tilespmem:s21+$0x12F90] =	vst v3  }
0x40: {  	v3 =	vld [tilespmem:s24+$0x6430];
	[tilespmem:s21+$0x12FA0] =	vst v4;
	s21 =	smov.u32 s24  }
0x41: {  	v4 =	vld [tilespmem:s21+$0x6480];
	[tilespmem:s21+$0x12FB0] =	vst v5  }
0x42: {  	[tilespmem:s21+$0x12C00] =	vst v0;
	v0 =	vld [tilespmem:s21+$0x6490]  }
0x43: {  	[tilespmem:s21+$0x12C10] =	vst v1;
	v1 =	vld [tilespmem:s21+$0x64A0]  }
0x44: {  	[tilespmem:s21+$0x12C20] =	vst v2;
	v2 =	vld [tilespmem:s21+$0x64B0]  }
0x45: {  	[tilespmem:s21+$0x12C30] =	vst v3;
	v3 =	vld [tilespmem:s21+$0x6500]  }
0x46: {  	[tilespmem:s21+$0x12C80] =	vst v4;
	v4 =	vld [tilespmem:s21+$0x6510]  }
0x47: {  	[tilespmem:s21+$0x12C90] =	vst v0;
	v0 =	vld [tilespmem:s21+$0x6520]  }
0x48: {  	[tilespmem:s21+$0x12CA0] =	vst v1;
	v1 =	vld [tilespmem:s21+$0x6530]  }
0x49: {  	[tilespmem:s21+$0x12CB0] =	vst v2;
	v2 =	vld [tilespmem:s21+$0x6580]  }
0x4a: {  	[tilespmem:s21+$0x12D00] =	vst v3;
	v3 =	vld [tilespmem:s21+$0x6590]  }
0x4b: {  	[tilespmem:s21+$0x12D10] =	vst v4;
	v4 =	vld [tilespmem:s21+$0x65A0]  }
0x4c: {  	[tilespmem:s21+$0x12D20] =	vst v0;
	v0 =	vld [tilespmem:s21+$0x65B0]  }
0x4d: {  	[tilespmem:s21+$0x12D30] =	vst v1;
	v1 =	vld [tilespmem:s21+$0x6600]  }
0x4e: {  	[tilespmem:s21+$0x12D80] =	vst v2;
	v2 =	vld [tilespmem:s21+$0x6610]  }
0x4f: {  	[tilespmem:s21+$0x12D90] =	vst v3;
	v3 =	vld [tilespmem:s21+$0x6620]  }
0x50: {  	[tilespmem:s21+$0x12DA0] =	vst v4;
	v4 =	vld [tilespmem:s21+$0x6630]  }
0x51: {  	[tilespmem:s21+$0x12DB0] =	vst v0;
	v0 =	vld [tilespmem:s21+$0x6680]  }
0x52: {  	[tilespmem:s21+$0x12E00] =	vst v1;
	v1 =	vld [tilespmem:s21+$0x6690]  }
0x53: {  	[tilespmem:s21+$0x12E10] =	vst v2;
	v2 =	vld [tilespmem:s21+$0x66A0]  }
0x54: {  	[tilespmem:s21+$0x12E20] =	vst v3;
	v3 =	vld [tilespmem:s21+$0x66B0]  }
0x55: {  	[tilespmem:s21+$0x12E30] =	vst v4;
	v4 =	vld [tilespmem:s21+$0x6700]  }
0x56: {  	[tilespmem:s21+$0x12E80] =	vst v0;
	v5 =	vld [tilespmem:s21+$0x6710]  }
.Ltmp0:
0x57: {  	[tilespmem:s21+$0x12E90] =	vst v1;
	v0 =	vld [tilespmem:s21+$0x6720];
	(pc) =	sbr.rel @p1 .LBB2_3-.Ltmp0, $4  }
0x58: {  	[tilespmem:s21+$0x12EA0] =	vst v2;
	v1 =	vld [tilespmem:s21+$0x6730]  }
0x59: {  	[tilespmem:s21+$0x12EB0] =	vst v3;
	v2 =	vld [tilespmem:s21+$0x6780]  }
0x5a: {  	[tilespmem:s21+$0x12F00] =	vst v4;
	v3 =	vld [tilespmem:s21+$0x6790]  }
0x5b: {  	s24 =	sshra.s32 s23, $0x2;
	s23 =	sadd.s32 $0x1000, s23;
	[tilespmem:s21+$0x12F10] =	vst v5;
	v4 =	vld [tilespmem:s21+$0x67A0]  }
0x5c: {  	v5 =	vld [tilespmem:s24+$0x67B0];
	[tilespmem:s21+$0x12F20] =	vst v0  }
0x5d: {  	v0 =	vld [tilespmem:s24+$0x6400];
	[tilespmem:s21+$0x12F30] =	vst v1  }
0x5e: {  	v1 =	vld [tilespmem:s24+$0x6410];
	[tilespmem:s21+$0x12F80] =	vst v2  }
0x5f: {  	v2 =	vld [tilespmem:s24+$0x6420];
	[tilespmem:s21+$0x12F90] =	vst v3  }
0x60: {  	v3 =	vld [tilespmem:s24+$0x6430];
	[tilespmem:s21+$0x12FA0] =	vst v4  }
0x61: {  	v4 =	vld [tilespmem:s24+$0x6480];
	[tilespmem:s24+$0x12FB0] =	vst v5  }
0x62: {  	v38 =	vld [tilespmem:s24+$0x6490];
	[tilespmem:s24+$0x12C00] =	vst v0  }
0x63: {  	v39 =	vld [tilespmem:s24+$0x64A0];
	[tilespmem:s24+$0x12C10] =	vst v1  }
0x64: {  	v40 =	vld [tilespmem:s24+$0x64B0];
	[tilespmem:s24+$0x12C20] =	vst v2  }
0x65: {  	v41 =	vld [tilespmem:s24+$0x6500];
	[tilespmem:s24+$0x12C30] =	vst v3  }
0x66: {  	v42 =	vld [tilespmem:s24+$0x6510];
	[tilespmem:s24+$0x12C80] =	vst v4  }
0x67: {  	v43 =	vld [tilespmem:s24+$0x6520];
	[tilespmem:s24+$0x12C90] =	vst v38  }
0x68: {  	v44 =	vld [tilespmem:s24+$0x6530];
	[tilespmem:s24+$0x12CA0] =	vst v39  }
0x69: {  	v45 =	vld [tilespmem:s24+$0x6580];
	[tilespmem:s24+$0x12CB0] =	vst v40  }
0x6a: {  	v46 =	vld [tilespmem:s24+$0x6590];
	[tilespmem:s24+$0x12D00] =	vst v41  }
0x6b: {  	v47 =	vld [tilespmem:s24+$0x65A0];
	[tilespmem:s24+$0x12D10] =	vst v42  }
0x6c: {  	v48 =	vld [tilespmem:s24+$0x65B0];
	[tilespmem:s24+$0x12D20] =	vst v43  }
0x6d: {  	v49 =	vld [tilespmem:s24+$0x6600];
	[tilespmem:s24+$0x12D30] =	vst v44  }
0x6e: {  	v50 =	vld [tilespmem:s24+$0x6610];
	[tilespmem:s24+$0x12D80] =	vst v45  }
0x6f: {  	v51 =	vld [tilespmem:s24+$0x6620];
	[tilespmem:s24+$0x12D90] =	vst v46  }
0x70: {  	v52 =	vld [tilespmem:s24+$0x6630];
	[tilespmem:s24+$0x12DA0] =	vst v47  }
0x71: {  	v53 =	vld [tilespmem:s24+$0x6680];
	[tilespmem:s24+$0x12DB0] =	vst v48  }
0x72: {  	v54 =	vld [tilespmem:s24+$0x6690];
	[tilespmem:s24+$0x12E00] =	vst v49  }
0x73: {  	v55 =	vld [tilespmem:s24+$0x66A0];
	[tilespmem:s24+$0x12E10] =	vst v50  }
0x74: {  	v56 =	vld [tilespmem:s24+$0x66B0];
	[tilespmem:s24+$0x12E20] =	vst v51  }
0x75: {  	v57 =	vld [tilespmem:s24+$0x6700];
	[tilespmem:s24+$0x12E30] =	vst v52  }
0x76: {  	v58 =	vld [tilespmem:s24+$0x6710];
	[tilespmem:s24+$0x12E80] =	vst v53  }
0x77: {  	v59 =	vld [tilespmem:s24+$0x6720];
	[tilespmem:s24+$0x12E90] =	vst v54  }
0x78: {  	v60 =	vld [tilespmem:s24+$0x6730];
	[tilespmem:s24+$0x12EA0] =	vst v55  }
0x79: {  	v61 =	vld [tilespmem:s24+$0x6780];
	[tilespmem:s24+$0x12EB0] =	vst v56  }
0x7a: {  	v62 =	vld [tilespmem:s24+$0x6790];
	[tilespmem:s24+$0x12F00] =	vst v57  }
0x7b: {  	v63 =	vld [tilespmem:s24+$0x67A0];
	[tilespmem:s24+$0x12F10] =	vst v58  }
0x7c: {  	p1 =	sne.s32 s19, $0x3F;
	[tilespmem:s24+$0x12F20] =	vst v59  }
.Ltmp1:
0x7d: {  	s31 =	sadd.s32 s5, s22;
	[tilespmem:s24+$0x12F30] =	vst v60;
	(pc) =	sbr.rel @p1 .LBB2_6-.Ltmp1, $4  }
0x7e: {  	s21 =	smul.u32 $0xC80, s31;
	[tilespmem:s24+$0x12F80] =	vst v61  }
0x7f: {  	[tilespmem:s24+$0x12F90] =	vst v62  }
0x80: {  	s21 =	sadd.s32 s4, s21;
	[tilespmem:s24+$0x12FA0] =	vst v63  }
0x81: {  	[hbm4b:s21+s2] =	stream.linear.scatter [tilespmem:s13], [sflag:$0x3], $0x6400, $0x38;
	[tilespmem:$0x1F400] =	vst v63  }
.Ltmp2:
0x82: {  	(pc) =	sbr.rel .LBB2_7-.Ltmp2, $4  }
0x83: {  	_ = 	snop  }
0x84: {  	_ =	swait.ge [sflag:s14], $0x6400  }
0x85: {  	[sflag:s14] =	ssyncset.done $0x0  }
0x86: {  	[sflag:s14] =	ssyncadd.s32 $0xFFFF9C00  }
.LBB2_6:
0x87: {  	s21 =	smul.u32 $0x640, s19;
	_ =	sdelay $0x1  }
0x88: {  	s21 =	sshra.s32 s21, $0x2  }
.Ltmp3:
0x89: {  	s21 =	sadd.s32 $0x190, s21;
	(pc) =	sbr.rel @p0 .LBB2_8-.Ltmp3, $4  }
0x8a: {  	[tilespmem:s10], [sflag:$0x1] =	stream.indirect.gather [hbm4b:s3+s9], $0x80, s21, s9, $0xb8;
	[tilespmem:$0x1F400] =	vst v63  }
0x8b: {  	_ =	swait.ge [sflag:s14], $0x6400  }
0x8c: {  	[sflag:s14] =	ssyncset.done $0x0  }
0x8d: {  	[sflag:s14] =	ssyncadd.s32 $0xFFFF9C00  }
.LBB2_7:
0x8e: {  	_ =	swait.ge [sflag:s15], $0x6400  }
0x8f: {  	[sflag:s15] =	ssyncset.done $0x0  }
0x90: {  	[sflag:s15] =	ssyncadd.s32 $0xFFFF9C00  }
.LBB2_8:
0x91: {  	s21 =	simm.s32 $0x0  }
0x92: {  	v0 =	vld [tilespmem:s21+$0xCBB0]  }
0x93: {  	v1 =	vld [tilespmem:s21+$0xC800]  }
0x94: {  	v2 =	vld [tilespmem:s21+$0xC810]  }
0x95: {  	v3 =	vld [tilespmem:s21+$0xC820]  }
0x96: {  	v4 =	vld [tilespmem:s21+$0xC830]  }
0x97: {  	v5 =	vld [tilespmem:s21+$0xC880];
	[tilespmem:s21+$0x193B0] =	vst v0  }
0x98: {  	[tilespmem:s21+$0x19000] =	vst v1;
	v0 =	vld [tilespmem:s21+$0xC890]  }
0x99: {  	[tilespmem:s21+$0x19010] =	vst v2;
	v1 =	vld [tilespmem:s21+$0xC8A0]  }
0x9a: {  	[tilespmem:s21+$0x19020] =	vst v3;
	v2 =	vld [tilespmem:s21+$0xC8B0]  }
0x9b: {  	[tilespmem:s21+$0x19030] =	vst v4;
	v3 =	vld [tilespmem:s21+$0xC900]  }
0x9c: {  	[tilespmem:s21+$0x19080] =	vst v5;
	v4 =	vld [tilespmem:s21+$0xC910]  }
0x9d: {  	v5 =	vld [tilespmem:s21+$0xCB10];
	[tilespmem:s21+$0x19090] =	vst v0  }
0x9e: {  	v0 =	vld [tilespmem:s21+$0xC920];
	[tilespmem:s21+$0x190A0] =	vst v1  }
0x9f: {  	v1 =	vld [tilespmem:s21+$0xC930];
	[tilespmem:s21+$0x190B0] =	vst v2  }
0xa0: {  	v2 =	vld [tilespmem:s21+$0xC980];
	[tilespmem:s21+$0x19100] =	vst v3  }
0xa1: {  	v3 =	vld [tilespmem:s21+$0xC990];
	[tilespmem:s21+$0x19110] =	vst v4  }
0xa2: {  	v4 =	vld [tilespmem:s21+$0xC9A0];
	[tilespmem:s21+$0x19310] =	vst v5  }
0xa3: {  	[tilespmem:s21+$0x19120] =	vst v0;
	v0 =	vld [tilespmem:s21+$0xC9B0]  }
0xa4: {  	[tilespmem:s21+$0x19130] =	vst v1;
	v1 =	vld [tilespmem:s21+$0xCA00]  }
0xa5: {  	[tilespmem:s21+$0x19180] =	vst v2;
	v2 =	vld [tilespmem:s21+$0xCA10]  }
0xa6: {  	[tilespmem:s21+$0x19190] =	vst v3;
	v3 =	vld [tilespmem:s21+$0xCA20]  }
0xa7: {  	[tilespmem:s21+$0x191A0] =	vst v4;
	v4 =	vld [tilespmem:s21+$0xCA30]  }
0xa8: {  	[tilespmem:s21+$0x191B0] =	vst v0;
	v0 =	vld [tilespmem:s21+$0xCA80]  }
0xa9: {  	[tilespmem:s21+$0x19200] =	vst v1;
	v1 =	vld [tilespmem:s21+$0xCA90]  }
0xaa: {  	[tilespmem:s21+$0x19210] =	vst v2;
	v2 =	vld [tilespmem:s21+$0xCAA0]  }
0xab: {  	[tilespmem:s21+$0x19220] =	vst v3;
	v3 =	vld [tilespmem:s21+$0xCAB0]  }
0xac: {  	[tilespmem:s21+$0x19230] =	vst v4;
	v4 =	vld [tilespmem:s21+$0xCB00]  }
0xad: {  	[tilespmem:s21+$0x19280] =	vst v0;
	v0 =	vld [tilespmem:s21+$0xCB20]  }
0xae: {  	[tilespmem:s21+$0x19290] =	vst v1;
	v1 =	vld [tilespmem:s21+$0xCB30]  }
0xaf: {  	[tilespmem:s21+$0x192A0] =	vst v2;
	v2 =	vld [tilespmem:s21+$0xCB80]  }
0xb0: {  	[tilespmem:s21+$0x192B0] =	vst v3;
	v3 =	vld [tilespmem:s21+$0xCB90]  }
0xb1: {  	s23 =	simm.s32 $0x400;
	s22 =	simm.s32 $0x2000;
	[tilespmem:s21+$0x19300] =	vst v4;
	v4 =	vld [tilespmem:s21+$0xCBA0]  }
.LBB2_9:
0xb2: {  	p0 =	sne.s32 s22, $0x18000;
	v5 =	vld [tilespmem:s23+$0xCBB0];
	[tilespmem:s21+$0x19320] =	vst v0  }
0xb3: {  	v0 =	vld [tilespmem:s23+$0xC800];
	[tilespmem:s21+$0x19330] =	vst v1  }
0xb4: {  	v1 =	vld [tilespmem:s23+$0xC810];
	[tilespmem:s21+$0x19380] =	vst v2  }
0xb5: {  	v2 =	vld [tilespmem:s23+$0xC820];
	[tilespmem:s21+$0x19390] =	vst v3  }
0xb6: {  	v3 =	vld [tilespmem:s23+$0xC830];
	[tilespmem:s21+$0x193A0] =	vst v4;
	s21 =	smov.u32 s23  }
0xb7: {  	v4 =	vld [tilespmem:s21+$0xC880];
	[tilespmem:s21+$0x193B0] =	vst v5  }
0xb8: {  	[tilespmem:s21+$0x19000] =	vst v0;
	v0 =	vld [tilespmem:s21+$0xC890]  }
0xb9: {  	[tilespmem:s21+$0x19010] =	vst v1;
	v1 =	vld [tilespmem:s21+$0xC8A0]  }
0xba: {  	[tilespmem:s21+$0x19020] =	vst v2;
	v2 =	vld [tilespmem:s21+$0xC8B0]  }
0xbb: {  	[tilespmem:s21+$0x19030] =	vst v3;
	v3 =	vld [tilespmem:s21+$0xC900]  }
0xbc: {  	[tilespmem:s21+$0x19080] =	vst v4;
	v4 =	vld [tilespmem:s21+$0xC910]  }
0xbd: {  	[tilespmem:s21+$0x19090] =	vst v0;
	v0 =	vld [tilespmem:s21+$0xC920]  }
0xbe: {  	[tilespmem:s21+$0x190A0] =	vst v1;
	v1 =	vld [tilespmem:s21+$0xC930]  }
0xbf: {  	[tilespmem:s21+$0x190B0] =	vst v2;
	v2 =	vld [tilespmem:s21+$0xC980]  }
0xc0: {  	[tilespmem:s21+$0x19100] =	vst v3;
	v3 =	vld [tilespmem:s21+$0xC990]  }
0xc1: {  	[tilespmem:s21+$0x19110] =	vst v4;
	v4 =	vld [tilespmem:s21+$0xC9A0]  }
0xc2: {  	[tilespmem:s21+$0x19120] =	vst v0;
	v0 =	vld [tilespmem:s21+$0xC9B0]  }
0xc3: {  	[tilespmem:s21+$0x19130] =	vst v1;
	v1 =	vld [tilespmem:s21+$0xCA00]  }
0xc4: {  	[tilespmem:s21+$0x19180] =	vst v2;
	v2 =	vld [tilespmem:s21+$0xCA10]  }
0xc5: {  	[tilespmem:s21+$0x19190] =	vst v3;
	v3 =	vld [tilespmem:s21+$0xCA20]  }
0xc6: {  	[tilespmem:s21+$0x191A0] =	vst v4;
	v4 =	vld [tilespmem:s21+$0xCA30]  }
0xc7: {  	[tilespmem:s21+$0x191B0] =	vst v0;
	v0 =	vld [tilespmem:s21+$0xCA80]  }
0xc8: {  	[tilespmem:s21+$0x19200] =	vst v1;
	v1 =	vld [tilespmem:s21+$0xCA90]  }
0xc9: {  	[tilespmem:s21+$0x19210] =	vst v2;
	v2 =	vld [tilespmem:s21+$0xCAA0]  }
0xca: {  	[tilespmem:s21+$0x19220] =	vst v3;
	v3 =	vld [tilespmem:s21+$0xCAB0]  }
0xcb: {  	[tilespmem:s21+$0x19230] =	vst v4;
	v4 =	vld [tilespmem:s21+$0xCB00]  }
0xcc: {  	[tilespmem:s21+$0x19280] =	vst v0;
	v5 =	vld [tilespmem:s21+$0xCB10]  }
.Ltmp4:
0xcd: {  	[tilespmem:s21+$0x19290] =	vst v1;
	v0 =	vld [tilespmem:s21+$0xCB20];
	(pc) =	sbr.rel @p0 .LBB2_9-.Ltmp4, $4  }
0xce: {  	[tilespmem:s21+$0x192A0] =	vst v2;
	v1 =	vld [tilespmem:s21+$0xCB30]  }
0xcf: {  	[tilespmem:s21+$0x192B0] =	vst v3;
	v2 =	vld [tilespmem:s21+$0xCB80]  }
0xd0: {  	[tilespmem:s21+$0x19300] =	vst v4;
	v3 =	vld [tilespmem:s21+$0xCB90]  }
0xd1: {  	s23 =	sshra.s32 s22, $0x2;
	s22 =	sadd.s32 $0x1000, s22;
	[tilespmem:s21+$0x19310] =	vst v5;
	v4 =	vld [tilespmem:s21+$0xCBA0]  }
0xd2: {  	v5 =	vld [tilespmem:s23+$0xCBB0];
	[tilespmem:s21+$0x19320] =	vst v0  }
0xd3: {  	v0 =	vld [tilespmem:s23+$0xC800];
	[tilespmem:s21+$0x19330] =	vst v1  }
0xd4: {  	v1 =	vld [tilespmem:s23+$0xC810];
	[tilespmem:s21+$0x19380] =	vst v2  }
0xd5: {  	v2 =	vld [tilespmem:s23+$0xC820];
	[tilespmem:s21+$0x19390] =	vst v3  }
0xd6: {  	v3 =	vld [tilespmem:s23+$0xC830];
	[tilespmem:s21+$0x193A0] =	vst v4  }
0xd7: {  	v4 =	vld [tilespmem:s23+$0xC880];
	[tilespmem:s23+$0x193B0] =	vst v5  }
0xd8: {  	v38 =	vld [tilespmem:s23+$0xC890];
	[tilespmem:s23+$0x19000] =	vst v0  }
0xd9: {  	v39 =	vld [tilespmem:s23+$0xC8A0];
	[tilespmem:s23+$0x19010] =	vst v1  }
0xda: {  	v40 =	vld [tilespmem:s23+$0xC8B0];
	[tilespmem:s23+$0x19020] =	vst v2  }
0xdb: {  	v41 =	vld [tilespmem:s23+$0xC900];
	[tilespmem:s23+$0x19030] =	vst v3  }
0xdc: {  	v42 =	vld [tilespmem:s23+$0xC910];
	[tilespmem:s23+$0x19080] =	vst v4  }
0xdd: {  	v43 =	vld [tilespmem:s23+$0xC920];
	[tilespmem:s23+$0x19090] =	vst v38  }
0xde: {  	v44 =	vld [tilespmem:s23+$0xC930];
	[tilespmem:s23+$0x190A0] =	vst v39  }
0xdf: {  	v45 =	vld [tilespmem:s23+$0xC980];
	[tilespmem:s23+$0x190B0] =	vst v40  }
0xe0: {  	v46 =	vld [tilespmem:s23+$0xC990];
	[tilespmem:s23+$0x19100] =	vst v41  }
0xe1: {  	v47 =	vld [tilespmem:s23+$0xC9A0];
	[tilespmem:s23+$0x19110] =	vst v42  }
0xe2: {  	v48 =	vld [tilespmem:s23+$0xC9B0];
	[tilespmem:s23+$0x19120] =	vst v43  }
0xe3: {  	v49 =	vld [tilespmem:s23+$0xCA00];
	[tilespmem:s23+$0x19130] =	vst v44  }
0xe4: {  	v50 =	vld [tilespmem:s23+$0xCA10];
	[tilespmem:s23+$0x19180] =	vst v45  }
0xe5: {  	v51 =	vld [tilespmem:s23+$0xCA20];
	[tilespmem:s23+$0x19190] =	vst v46  }
0xe6: {  	v52 =	vld [tilespmem:s23+$0xCA30];
	[tilespmem:s23+$0x191A0] =	vst v47  }
0xe7: {  	v53 =	vld [tilespmem:s23+$0xCA80];
	[tilespmem:s23+$0x191B0] =	vst v48  }
0xe8: {  	v54 =	vld [tilespmem:s23+$0xCA90];
	[tilespmem:s23+$0x19200] =	vst v49  }
0xe9: {  	v55 =	vld [tilespmem:s23+$0xCAA0];
	[tilespmem:s23+$0x19210] =	vst v50  }
0xea: {  	v56 =	vld [tilespmem:s23+$0xCAB0];
	[tilespmem:s23+$0x19220] =	vst v51  }
0xeb: {  	v57 =	vld [tilespmem:s23+$0xCB00];
	[tilespmem:s23+$0x19230] =	vst v52  }
0xec: {  	v58 =	vld [tilespmem:s23+$0xCB10];
	[tilespmem:s23+$0x19280] =	vst v53  }
0xed: {  	v59 =	vld [tilespmem:s23+$0xCB20];
	[tilespmem:s23+$0x19290] =	vst v54  }
0xee: {  	v60 =	vld [tilespmem:s23+$0xCB30];
	[tilespmem:s23+$0x192A0] =	vst v55  }
0xef: {  	v61 =	vld [tilespmem:s23+$0xCB80];
	[tilespmem:s23+$0x192B0] =	vst v56  }
0xf0: {  	v62 =	vld [tilespmem:s23+$0xCB90];
	[tilespmem:s23+$0x19300] =	vst v57  }
0xf1: {  	s19 =	sadd.s32 $0x1, s19;
	v63 =	vld [tilespmem:s23+$0xCBA0];
	[tilespmem:s23+$0x19310] =	vst v58  }
0xf2: {  	p0 =	sne.s32 s19, $0x40;
	[tilespmem:s23+$0x19320] =	vst v59  }
.Ltmp5:
0xf3: {  	s20 =	sadd.s32 s5, s20;
	[tilespmem:s23+$0x19330] =	vst v60;
	(pc) =	sbr.rel @p0 .LBB2_2-.Ltmp5, $4  }
0xf4: {  	s20 =	smul.u32 $0xC80, s20;
	[tilespmem:s23+$0x19380] =	vst v61  }
0xf5: {  	[tilespmem:s23+$0x19390] =	vst v62  }
0xf6: {  	s20 =	sadd.s32 s4, s20;
	[tilespmem:s23+$0x193A0] =	vst v63  }
0xf7: {  	[hbm4b:s20+s2] =	stream.linear.scatter [tilespmem:s16], [sflag:$0x4], $0x6400, $0x38;
	[tilespmem:$0x1F400] =	vst v63  }
0xf8: {  	s18 =	sadd.s32 $0x1, s18  }
0xf9: {  	_ =	swait.ge [sflag:s17], $0x6400;
	p0 =	sne.s32 s18, s7  }
.Ltmp6:
0xfa: {  	[sflag:s17] =	ssyncset.done $0x0;
	(pc) =	sbr.rel @p0 .LBB2_1-.Ltmp6, $4  }
0xfb: {  	[sflag:s17] =	ssyncadd.s32 $0xFFFF9C00  }
0xfc: {  	_ =	swait.ge [sflag:s15], $0x6400  }
0xfd: {  	[sflag:s15] =	ssyncset.done $0x0  }
0xfe: {  	[sflag:s15] =	ssyncadd.s32 $0xFFFF9C00  }
0xff: {  	_ =	sfence.sel $0x180000  }
0x100: {  	[bflag:$0x0] =	sbarrier.arrive $0xFFFF  }
0x101: {  	p0 =	sne.s32 s1, $0x0;
	_ =	strace $0x90000047  }
0x102: {  	s0 =	sadd.s32 @!p0 $0x100000, s0;
	[bflag:$0x2] =	sbarrier.arrive $0xFFFF  }
0x103: {  	[sflag:s0] =	ssyncadd.tile.s32 @!p0 $0x1;
	_ =	shalt  }
.Lfunc_end2:
_tile_overlayer_lowered:
.L_overlay_start_2:
0x104: {  	(tag) =	ssettag $0x2  }
0x105: {  	s0 =	rddreg [dreg:$0x0];
	s2 =	stileid.u32  }
0x106: {  	s1 =	rddreg [dreg:$0x1];
	p0 =	sne.s32 s2, $0x0  }
0x107: {  	s3 =	rddreg [dreg:$0x2];
	[bflag:$0x3] =	sbarrier.arrive $0xFFFF;
	s2 =	simm.s32 @!p0 $0x1C05  }
0x108: {  	[timem:s3], [sflag:s2] =	dma.local @!p0 [hbm:s0], s1  }
0x109: {  	s0 =	simm.s32 @!p0 $0x5  }
0x10a: {  	_ =	swait.ge @!p0 [sflag:s0], s1  }
0x10b: {  	s1 =	ssub.s32 @!p0 $0x0, s1;
	[sflag:s0] =	ssyncset.done @!p0 $0x0  }
0x10c: {  	[sflag:s0] =	ssyncadd.s32 @!p0 s1  }
0x10d: {  	[bflag:$0x3] =	sbarrier.arrive $0xFFFF  }
0x10e: {  	_ =	shalt  }

</sc_bundles>
